<compile_context>
chip_gen: v7x
topology: tpu7x:2x2x1
jax: 0.10.2.dev20260603
libtpu: 0.0.44.dev20260713+nightly
codegen_flags: <defaults>
</compile_context>

<pallas_src>
import functools

import jax
import jax.numpy as jnp
from jax import lax
from jax.experimental import pallas as pl
from jax.experimental.pallas import tpu as pltpu
from jax.experimental.pallas import tpu_sc as plsc

B = 16384
D = 16
K = 100000
L = 16
TS = 3328
SELW = 3200
LO_MAX = 100096 - TS
CAP = 2048
NG = CAP // L
PF = 4


@functools.lru_cache(maxsize=None)
def _build(nw: int):
    mesh = plsc.VectorSubcoreMesh(core_axis_name="c", subcore_axis_name="s")

    @functools.partial(
        pl.kernel,
        mesh=mesh,
        out_type=jax.ShapeDtypeStruct((B,), jnp.float32),
        scratch_types=[
            pltpu.VMEM((B,), jnp.int32),
            pltpu.VMEM((D, TS), jnp.float32),
            pltpu.VMEM((CAP,), jnp.int32),
            pltpu.VMEM((PF, L, 128), jnp.float32),
            pltpu.VMEM((NG, L), jnp.float32),
            pltpu.VMEM((NG, L), jnp.int32),
            pltpu.VMEM_SHARED((B,), jnp.float32),
            pltpu.SemaphoreType.DMA,
            pltpu.SemaphoreType.DMA,
            pltpu.SemaphoreType.DMA,
        ],
        compiler_params=pltpu.CompilerParams(needs_layout_passes=False),
    )
    def sc_fwd(x128_hbm, a_hbm, mt_hbm, out_hbm,
               av, slab_v, sel_v, xg_v, res_v, opos_v, acc_sh,
               sem_m, sem_x, sem_o):
        nc = lax.axis_size("c")
        wid = lax.axis_index("s") * nc + lax.axis_index("c")
        lo_sel = wid * SELW
        hi_sel = lo_sel + SELW
        lo_dma = jnp.minimum(lo_sel, LO_MAX)

        slab_cp = pltpu.async_copy(mt_hbm.at[:, pl.ds(lo_dma, TS)],
                                   slab_v, sem_m)
        pltpu.sync_copy(a_hbm, av)

        iota = lax.iota(jnp.int32, L)

        def scan(k, cnt):
            v = av[pl.ds(k * L, L)]
            msk = (v >= lo_sel) & (v < hi_sel)
            packed = ((k * L + iota) << 12) | (v - lo_dma)
            cw = jnp.minimum(cnt, CAP - L)
            plsc.store_compressed(sel_v.at[pl.ds(cw, L)], packed, mask=msk)
            return cnt + plsc.all_reduce_population_count(msk)[0]

        cnt = lax.fori_loop(0, B // L, scan, jnp.int32(0), unroll=2)
        cnt = jnp.minimum(cnt, CAP - L)

        dnums = lax.GatherDimensionNumbers(
            offset_dims=(), collapsed_slice_dims=(0,), start_index_map=(0,))

        @pl.when(cnt > 0)
        def _pad():
            start = jnp.maximum(cnt - L, 0)
            chunk = sel_v[pl.ds(start, L)]
            lastv = lax.gather(chunk, jnp.full((L, 1), cnt - 1 - start,
                                               jnp.int32),
                               dnums, slice_sizes=(1,),
                               mode=lax.GatherScatterMode.PROMISE_IN_BOUNDS)
            sel_v[pl.ds(cnt, L)] = lastv

        ng = (cnt + L - 1) >> 4
        slab_cp.wait()

        def xstart(g):
            packed = sel_v[pl.ds(g * L, L)]
            pltpu.make_async_copy(x128_hbm.at[packed >> 15],
                                  xg_v.at[lax.rem(g, PF)], sem_x).start()


        def body(g, carry):
            packed = sel_v[pl.ds(g * L, L)]
            buf = lax.rem(g, PF)

            pos = packed >> 12
            aloc = packed & 0xFFF
            off = (pos & 7) << 4
            acc = jnp.zeros((L,), jnp.float32)
            for t in range(D):
                dvec = (iota + t) & (D - 1)
                mv = plsc.load_gather(slab_v, [dvec, aloc])
                acc = acc + mv
            res_v[g, :] = 1.0 / (1.0 + jnp.exp(-acc))
            opos_v[g, :] = pos
            return carry

        lax.fori_loop(0, ng, body, 0)

        def fire(g, carry):
            pltpu.make_async_copy(res_v.at[g], acc_sh.at[opos_v.at[g]],
                                  sem_o).start()
            return carry

        lax.fori_loop(0, ng, fire, 0)

        def drain(g, carry):
            pltpu.make_async_copy(res_v.at[0], acc_sh.at[opos_v.at[0]],
                                  sem_o).wait()
            return carry

        lax.fori_loop(0, ng, drain, 0)


    return sc_fwd


def kernel(X, A, m):
    info = plsc.get_sparse_core_info()
    nw = info.num_cores * info.num_subcores
    assert nw == 32
    x128 = X.reshape(B // 8, 128)
    return _build(nw)(x128, A.astype(jnp.int32), m.T)

# --- scband reference (transcript-rebuilt; emitter-appended) ---
"""Pipeline reference for scband-logistic-regression-29291676959004 (READ-ONLY COPY).

The authoritative reference and input builder live on the scoring server;
editing this copy changes nothing except your own understanding.
"""

import jax, jax.numpy as jnp
import numpy as np

K = 100000
D = 16
B = 16384

def setup_inputs(seed: int = 0) -> dict:
    key = jax.random.key(seed)
    k1, k2, k3 = jax.random.split(key, 3)
    X = jax.random.normal(k1, (B, D), dtype=jnp.float32)
    A = jax.random.randint(k2, (B,), 0, K, dtype=jnp.int64)
    # parameter m: kaiming_uniform_ on [K, D] -> U(-bound, bound), bound = sqrt(6 / fan_in), fan_in = D
    bound = float(np.sqrt(6.0 / D))
    m = jax.random.uniform(k3, (K, D), dtype=jnp.float32, minval=-bound, maxval=bound)
    return {"X": X, "A": A, "m": m}

def reference(X, A, m):
    # forward: sigmoid(sum(X * m[A], dim=1))
    gathered = jnp.take(m, A, axis=0)  # [B, D]
    logits = jnp.sum(X * gathered, axis=1)  # [B]
    return jax.nn.sigmoid(logits)

if __name__ == "__main__":
    import jax
    _d = setup_inputs()
    print(jax.jit(kernel)(*tuple(_d.values())))

</pallas_src>

<mosaic_0001>
#map = affine_map<(d0, d1) -> (0, 0)>
#map1 = affine_map<(d0, d1) -> (0)>
module attributes {stable_mosaic.version = 14 : i64} {
  func.func @sc_fwd(%arg0: i32, %arg1: i32, %arg2: memref<2048x128xf32, #tpu.memory_space<hbm>>, %arg3: memref<16384xi32, #tpu.memory_space<hbm>>, %arg4: memref<16x100000xf32, #tpu.memory_space<hbm>>, %arg5: memref<16384xf32, #tpu.memory_space<hbm>>, %arg6: memref<16384xi32, #tpu.memory_space<vmem>>, %arg7: memref<16x3328xf32, #tpu.memory_space<vmem>>, %arg8: memref<2048xi32, #tpu.memory_space<vmem>>, %arg9: memref<4x16x128xf32, #tpu.memory_space<vmem>>, %arg10: memref<128x16xf32, #tpu.memory_space<vmem>>, %arg11: memref<128x16xi32, #tpu.memory_space<vmem>>, %arg12: memref<16384xf32, #tpu.memory_space<vmem_shared>>, %arg13: memref<!tpu.dma_semaphore, #tpu.memory_space<semaphore_mem>>, %arg14: memref<!tpu.dma_semaphore, #tpu.memory_space<semaphore_mem>>, %arg15: memref<!tpu.dma_semaphore, #tpu.memory_space<semaphore_mem>>) attributes {dimension_semantics = [#tpu.dimension_semantics<core_parallel>, #tpu.dimension_semantics<subcore_parallel>], iteration_bounds = array<i64: 2, 16>, scalar_prefetch = 0 : i64, scratch_operands = 10 : i64, tpu.core_type = #tpu.core_type<sc_vector_subcore>, window_params = [{transform_indices = #map}, {transform_indices = #map1}, {transform_indices = #map}, {transform_indices = #map1}]} {
    %mul3A = arith.constant 2 : i32
    %mul3A_0 = arith.muli %arg1, %mul3A : i32
    %add3A = arith.addi %mul3A_0, %arg0 : i32
    %mul3A_1 = arith.constant 3200 : i32
    %mul3A_2 = arith.muli %add3A, %mul3A_1 : i32
    %add3A_3 = arith.constant 3200 : i32
    %add3A_4 = arith.addi %mul3A_2, %add3A_3 : i32
    %min3A = arith.constant 96768 : i32
    %min3A_5 = arith.minsi %mul3A_2, %min3A : i32
    %dma_start3A = arith.constant 0 : i32
    %dma_start3A_6 = tpu.memref_slice %arg4[%dma_start3A, %min3A_5] : memref<16x100000xf32, #tpu.memory_space<hbm>> -> memref<16x3328xf32, #tpu.memory_space<hbm>>
    %dma_start3A_7 = arith.constant 0 : i32
    %dma_start3A_8 = tpu.memref_slice %arg4[%dma_start3A_7, %min3A_5] : memref<16x100000xf32, #tpu.memory_space<hbm>> -> memref<16x3328xf32, #tpu.memory_space<hbm>>
    tpu.enqueue_dma source(%dma_start3A_8 : memref<16x3328xf32, #tpu.memory_space<hbm>>) target(%arg7 : memref<16x3328xf32, #tpu.memory_space<vmem>>) target_semaphore(%arg13 : memref<!tpu.dma_semaphore, #tpu.memory_space<semaphore_mem>>)
    "tpu.region"() ({
      %run_scoped3A = tpu.sem_alloc : memref<!tpu.dma_semaphore, #tpu.memory_space<semaphore_mem>>
      tpu.enqueue_dma source(%arg3 : memref<16384xi32, #tpu.memory_space<hbm>>) target(%arg6 : memref<16384xi32, #tpu.memory_space<vmem>>) target_semaphore(%run_scoped3A : memref<!tpu.dma_semaphore, #tpu.memory_space<semaphore_mem>>)
      tpu.wait_dma2 semaphore(%run_scoped3A : memref<!tpu.dma_semaphore, #tpu.memory_space<semaphore_mem>>) src(%arg3 : memref<16384xi32, #tpu.memory_space<hbm>>) dst(%arg6 : memref<16384xi32, #tpu.memory_space<vmem>>)
      tpu.yield
    }) : () -> ()
    %iota3A = tpu.iota {dimensions = array<i32: 0>} : vector<16xi32>
    %scan3A = arith.constant 0 : i32
    %scan3A_9 = arith.constant 0 : i32
    %scan3A_10 = arith.constant 1024 : i32
    %scan3A_11 = arith.addi %scan3A_9, %scan3A_10 : i32
    %scan3A_12 = arith.constant 2 : i32
    %scan3A_13 = scf.for %scan3A_55 = %scan3A_9 to %scan3A_11 step %scan3A_12 iter_args(%scan3A_56 = %scan3A) -> (i32)  : i32 {
      %mul3A_57 = arith.constant 16 : i32
      %mul3A_58 = arith.muli %scan3A_55, %mul3A_57 : i32
      %get3A = arith.index_cast %mul3A_58 : i32 to index
      %get3A_59 = tpu.vector_load %arg6[%get3A] {strides = array<i32>} : memref<16384xi32, #tpu.memory_space<vmem>>, vector<16xi32>,
      %ge3A = vector.broadcast %mul3A_2 : i32 to vector<16xi32>
      %ge3A_60 = arith.cmpi sge, %get3A_59, %ge3A : vector<16xi32>
      %lt3A = vector.broadcast %add3A_4 : i32 to vector<16xi32>
      %lt3A_61 = arith.cmpi slt, %get3A_59, %lt3A : vector<16xi32>
      %and3A = arith.andi %ge3A_60, %lt3A_61 : vector<16xi1>
      %mul3A_62 = arith.constant 16 : i32
      %mul3A_63 = arith.muli %scan3A_55, %mul3A_62 : i32
      %add3A_64 = vector.broadcast %mul3A_63 : i32 to vector<16xi32>
      %add3A_65 = arith.addi %add3A_64, %iota3A : vector<16xi32>
      %shift_left3A = arith.constant 12 : i32
      %shift_left3A_66 = vector.broadcast %shift_left3A : i32 to vector<16xi32>
      %shift_left3A_67 = arith.shli %add3A_65, %shift_left3A_66 : vector<16xi32>
      %sub3A_68 = vector.broadcast %min3A_5 : i32 to vector<16xi32>
      %sub3A_69 = arith.subi %get3A_59, %sub3A_68 : vector<16xi32>
      %or3A = arith.ori %shift_left3A_67, %sub3A_69 : vector<16xi32>
      %min3A_70 = arith.constant 2032 : i32
      %min3A_71 = arith.minsi %scan3A_56, %min3A_70 : i32
      %swap3A = arith.index_cast %min3A_71 : i32 to index
      %swap3A_72 = tpu.vector_load %arg8[%swap3A] masked %and3A {strides = array<i32>} : memref<2048xi32, #tpu.memory_space<vmem>>, vector<16xi32>, vector<16xi1>
      tpu.vector_store %arg8[%swap3A], %or3A masked %and3A {strides = array<i32>} : memref<2048xi32, #tpu.memory_space<vmem>>, vector<16xi32>, vector<16xi1>
      %all_reduce_population_count3A = tpu.all_reduce %and3A {dim = 0 : i64, kind = #tpu.reduction_kind<sum>} : vector<16xi1> -> vector<16xi32>
      %slice3A = vector.extract_strided_slice %all_reduce_population_count3A {offsets = [0], sizes = [1], strides = [1]} : vector<16xi32> to vector<1xi32>
      %squeeze3A = vector.extract %slice3A[0] : i32 from vector<1xi32>
      %add3A_73 = arith.addi %scan3A_56, %squeeze3A : i32
      %scan3A_74 = arith.constant 1 : i32
      %scan3A_75 = arith.addi %scan3A_55, %scan3A_74 : i32
      %mul3A_76 = arith.constant 16 : i32
      %mul3A_77 = arith.muli %scan3A_75, %mul3A_76 : i32
      %get3A_78 = arith.index_cast %mul3A_77 : i32 to index
      %get3A_79 = tpu.vector_load %arg6[%get3A_78] {strides = array<i32>} : memref<16384xi32, #tpu.memory_space<vmem>>, vector<16xi32>,
      %ge3A_80 = vector.broadcast %mul3A_2 : i32 to vector<16xi32>
      %ge3A_81 = arith.cmpi sge, %get3A_79, %ge3A_80 : vector<16xi32>
      %lt3A_82 = vector.broadcast %add3A_4 : i32 to vector<16xi32>
      %lt3A_83 = arith.cmpi slt, %get3A_79, %lt3A_82 : vector<16xi32>
      %and3A_84 = arith.andi %ge3A_81, %lt3A_83 : vector<16xi1>
      %mul3A_85 = arith.constant 16 : i32
      %mul3A_86 = arith.muli %scan3A_75, %mul3A_85 : i32
      %add3A_87 = vector.broadcast %mul3A_86 : i32 to vector<16xi32>
      %add3A_88 = arith.addi %add3A_87, %iota3A : vector<16xi32>
      %shift_left3A_89 = arith.constant 12 : i32
      %shift_left3A_90 = vector.broadcast %shift_left3A_89 : i32 to vector<16xi32>
      %shift_left3A_91 = arith.shli %add3A_88, %shift_left3A_90 : vector<16xi32>
      %sub3A_92 = vector.broadcast %min3A_5 : i32 to vector<16xi32>
      %sub3A_93 = arith.subi %get3A_79, %sub3A_92 : vector<16xi32>
      %or3A_94 = arith.ori %shift_left3A_91, %sub3A_93 : vector<16xi32>
      %min3A_95 = arith.constant 2032 : i32
      %min3A_96 = arith.minsi %add3A_73, %min3A_95 : i32
      %swap3A_97 = arith.index_cast %min3A_96 : i32 to index
      %swap3A_98 = tpu.vector_load %arg8[%swap3A_97] masked %and3A_84 {strides = array<i32>} : memref<2048xi32, #tpu.memory_space<vmem>>, vector<16xi32>, vector<16xi1>
      tpu.vector_store %arg8[%swap3A_97], %or3A_94 masked %and3A_84 {strides = array<i32>} : memref<2048xi32, #tpu.memory_space<vmem>>, vector<16xi32>, vector<16xi1>
      %all_reduce_population_count3A_99 = tpu.all_reduce %and3A_84 {dim = 0 : i64, kind = #tpu.reduction_kind<sum>} : vector<16xi1> -> vector<16xi32>
      %slice3A_100 = vector.extract_strided_slice %all_reduce_population_count3A_99 {offsets = [0], sizes = [1], strides = [1]} : vector<16xi32> to vector<1xi32>
      %squeeze3A_101 = vector.extract %slice3A_100[0] : i32 from vector<1xi32>
      %add3A_102 = arith.addi %add3A_73, %squeeze3A_101 : i32
      scf.yield %add3A_102 : i32
    }
    %scan3A_14 = arith.constant 1024 : i32
    %min3A_15 = arith.constant 2032 : i32
    %min3A_16 = arith.minsi %scan3A_13, %min3A_15 : i32
    %gt3A = arith.constant 0 : i32
    %gt3A_17 = arith.cmpi sgt, %min3A_16, %gt3A : i32
    %convert_element_type3A = arith.extui %gt3A_17 : i1 to i32
    %cond3A = arith.constant 0 : i32
    %cond3A_18 = arith.cmpi ne, %convert_element_type3A, %cond3A : i32
    scf.if %cond3A_18 {
      %sub3A_55 = arith.constant 16 : i32
      %sub3A_56 = arith.subi %min3A_16, %sub3A_55 : i32
      %max3A = arith.constant 0 : i32
      %max3A_57 = arith.maxsi %sub3A_56, %max3A : i32
      %get3A = arith.index_cast %max3A_57 : i32 to index
      %get3A_58 = tpu.vector_load %arg8[%get3A] {strides = array<i32>} : memref<2048xi32, #tpu.memory_space<vmem>>, vector<16xi32>,
      %sub3A_59 = arith.constant 1 : i32
      %sub3A_60 = arith.subi %min3A_16, %sub3A_59 : i32
      %sub3A_61 = arith.subi %sub3A_60, %max3A_57 : i32
      %broadcast_in_dim3A = vector.broadcast %sub3A_61 : i32 to vector<16x1xi32>
      %gather3A = vector.shape_cast %broadcast_in_dim3A : vector<16x1xi32> to vector<16xi32>
      %gather3A_62 = tpu.dynamic_gather %get3A_58[%gather3A] in [0] : vector<16xi32>, vector<16xi32> -> vector<16xi32>
      %swap3A = arith.index_cast %min3A_16 : i32 to index
      %swap3A_63 = tpu.vector_load %arg8[%swap3A] {strides = array<i32>} : memref<2048xi32, #tpu.memory_space<vmem>>, vector<16xi32>,
      tpu.vector_store %arg8[%swap3A], %gather3A_62 {strides = array<i32>} : memref<2048xi32, #tpu.memory_space<vmem>>, vector<16xi32>,
    } else {
    }
    %add3A_19 = arith.constant 16 : i32
    %add3A_20 = arith.addi %min3A_16, %add3A_19 : i32
    %sub3A = arith.constant 1 : i32
    %sub3A_21 = arith.subi %add3A_20, %sub3A : i32
    %shift_right_arithmetic3A = arith.constant 4 : i32
    %shift_right_arithmetic3A_22 = arith.shrsi %sub3A_21, %shift_right_arithmetic3A : i32
    %dma_wait3A = arith.constant 0 : i32
    %dma_wait3A_23 = tpu.memref_slice %arg4[%dma_wait3A, %min3A_5] : memref<16x100000xf32, #tpu.memory_space<hbm>> -> memref<16x3328xf32, #tpu.memory_space<hbm>>
    %dma_wait3A_24 = arith.constant 0 : i32
    %dma_wait3A_25 = tpu.memref_slice %arg4[%dma_wait3A_24, %min3A_5] : memref<16x100000xf32, #tpu.memory_space<hbm>> -> memref<16x3328xf32, #tpu.memory_space<hbm>>
    tpu.wait_dma2 semaphore(%arg13 : memref<!tpu.dma_semaphore, #tpu.memory_space<semaphore_mem>>) src(%dma_wait3A_25 : memref<16x3328xf32, #tpu.memory_space<hbm>>) dst(%arg7 : memref<16x3328xf32, #tpu.memory_space<vmem>>)
    %while3A = arith.constant 0 : i32
    %while3A_26 = arith.constant 0 : i32
    %while3A_27 = arith.subi %shift_right_arithmetic3A_22, %while3A_26 : i32
    %while3A_28 = arith.addi %while3A_26, %while3A_27 : i32
    %while3A_29 = arith.constant 1 : i32
    %while3A_30 = arith.divsi %while3A_27, %while3A_29 : i32
    %while3A_31 = arith.muli %while3A_30, %while3A_29 : i32
    %while3A_32 = arith.addi %while3A_26, %while3A_31 : i32
    %while3A_33 = arith.constant 1 : i32
    scf.for %while3A_55 = %while3A_26 to %while3A_32 step %while3A_33  : i32 {
      %mul3A_56 = arith.constant 16 : i32
      %mul3A_57 = arith.muli %while3A_55, %mul3A_56 : i32
      %get3A = arith.index_cast %mul3A_57 : i32 to index
      %get3A_58 = tpu.vector_load %arg8[%get3A] {strides = array<i32>} : memref<2048xi32, #tpu.memory_space<vmem>>, vector<16xi32>,
      %rem3A = arith.constant 4 : i32
      %rem3A_59 = arith.remsi %while3A_55, %rem3A : i32
      %shift_right_arithmetic3A_60 = arith.constant 12 : i32
      %shift_right_arithmetic3A_61 = vector.broadcast %shift_right_arithmetic3A_60 : i32 to vector<16xi32>
      %shift_right_arithmetic3A_62 = arith.shrsi %get3A_58, %shift_right_arithmetic3A_61 : vector<16xi32>
      %and3A = arith.constant 4095 : i32
      %and3A_63 = vector.broadcast %and3A : i32 to vector<16xi32>
      %and3A_64 = arith.andi %get3A_58, %and3A_63 : vector<16xi32>
      %and3A_65 = arith.constant 7 : i32
      %and3A_66 = vector.broadcast %and3A_65 : i32 to vector<16xi32>
      %and3A_67 = arith.andi %shift_right_arithmetic3A_62, %and3A_66 : vector<16xi32>
      %shift_left3A = arith.constant 4 : i32
      %shift_left3A_68 = vector.broadcast %shift_left3A : i32 to vector<16xi32>
      %shift_left3A_69 = arith.shli %and3A_67, %shift_left3A_68 : vector<16xi32>
      %broadcast_in_dim3A = arith.constant 0.000000e+00 : f32
      %broadcast_in_dim3A_70 = vector.broadcast %broadcast_in_dim3A : f32 to vector<16xf32>
      %add3A_71 = arith.constant 0 : i32
      %add3A_72 = vector.broadcast %add3A_71 : i32 to vector<16xi32>
      %add3A_73 = arith.addi %iota3A, %add3A_72 : vector<16xi32>
      %and3A_74 = arith.constant 15 : i32
      %and3A_75 = vector.broadcast %and3A_74 : i32 to vector<16xi32>
      %and3A_76 = arith.andi %add3A_73, %and3A_75 : vector<16xi32>
      %gather3A = tpu.vector_load_idx %arg7[%and3A_76, %and3A_64] : memref<16x3328xf32, #tpu.memory_space<vmem>>[vector<16xi32>, vector<16xi32>], vector<16xf32>,
      %add3A_77 = arith.addf %broadcast_in_dim3A_70, %gather3A : vector<16xf32>
      %add3A_78 = arith.constant 1 : i32
      %add3A_79 = vector.broadcast %add3A_78 : i32 to vector<16xi32>
      %add3A_80 = arith.addi %iota3A, %add3A_79 : vector<16xi32>
      %and3A_81 = arith.constant 15 : i32
      %and3A_82 = vector.broadcast %and3A_81 : i32 to vector<16xi32>
      %and3A_83 = arith.andi %add3A_80, %and3A_82 : vector<16xi32>
      %gather3A_84 = tpu.vector_load_idx %arg7[%and3A_83, %and3A_64] : memref<16x3328xf32, #tpu.memory_space<vmem>>[vector<16xi32>, vector<16xi32>], vector<16xf32>,
      %add3A_85 = arith.addf %add3A_77, %gather3A_84 : vector<16xf32>
      %add3A_86 = arith.constant 2 : i32
      %add3A_87 = vector.broadcast %add3A_86 : i32 to vector<16xi32>
      %add3A_88 = arith.addi %iota3A, %add3A_87 : vector<16xi32>
      %and3A_89 = arith.constant 15 : i32
      %and3A_90 = vector.broadcast %and3A_89 : i32 to vector<16xi32>
      %and3A_91 = arith.andi %add3A_88, %and3A_90 : vector<16xi32>
      %gather3A_92 = tpu.vector_load_idx %arg7[%and3A_91, %and3A_64] : memref<16x3328xf32, #tpu.memory_space<vmem>>[vector<16xi32>, vector<16xi32>], vector<16xf32>,
      %add3A_93 = arith.addf %add3A_85, %gather3A_92 : vector<16xf32>
      %add3A_94 = arith.constant 3 : i32
      %add3A_95 = vector.broadcast %add3A_94 : i32 to vector<16xi32>
      %add3A_96 = arith.addi %iota3A, %add3A_95 : vector<16xi32>
      %and3A_97 = arith.constant 15 : i32
      %and3A_98 = vector.broadcast %and3A_97 : i32 to vector<16xi32>
      %and3A_99 = arith.andi %add3A_96, %and3A_98 : vector<16xi32>
      %gather3A_100 = tpu.vector_load_idx %arg7[%and3A_99, %and3A_64] : memref<16x3328xf32, #tpu.memory_space<vmem>>[vector<16xi32>, vector<16xi32>], vector<16xf32>,
      %add3A_101 = arith.addf %add3A_93, %gather3A_100 : vector<16xf32>
      %add3A_102 = arith.constant 4 : i32
      %add3A_103 = vector.broadcast %add3A_102 : i32 to vector<16xi32>
      %add3A_104 = arith.addi %iota3A, %add3A_103 : vector<16xi32>
      %and3A_105 = arith.constant 15 : i32
      %and3A_106 = vector.broadcast %and3A_105 : i32 to vector<16xi32>
      %and3A_107 = arith.andi %add3A_104, %and3A_106 : vector<16xi32>
      %gather3A_108 = tpu.vector_load_idx %arg7[%and3A_107, %and3A_64] : memref<16x3328xf32, #tpu.memory_space<vmem>>[vector<16xi32>, vector<16xi32>], vector<16xf32>,
      %add3A_109 = arith.addf %add3A_101, %gather3A_108 : vector<16xf32>
      %add3A_110 = arith.constant 5 : i32
      %add3A_111 = vector.broadcast %add3A_110 : i32 to vector<16xi32>
      %add3A_112 = arith.addi %iota3A, %add3A_111 : vector<16xi32>
      %and3A_113 = arith.constant 15 : i32
      %and3A_114 = vector.broadcast %and3A_113 : i32 to vector<16xi32>
      %and3A_115 = arith.andi %add3A_112, %and3A_114 : vector<16xi32>
      %gather3A_116 = tpu.vector_load_idx %arg7[%and3A_115, %and3A_64] : memref<16x3328xf32, #tpu.memory_space<vmem>>[vector<16xi32>, vector<16xi32>], vector<16xf32>,
      %add3A_117 = arith.addf %add3A_109, %gather3A_116 : vector<16xf32>
      %add3A_118 = arith.constant 6 : i32
      %add3A_119 = vector.broadcast %add3A_118 : i32 to vector<16xi32>
      %add3A_120 = arith.addi %iota3A, %add3A_119 : vector<16xi32>
      %and3A_121 = arith.constant 15 : i32
      %and3A_122 = vector.broadcast %and3A_121 : i32 to vector<16xi32>
      %and3A_123 = arith.andi %add3A_120, %and3A_122 : vector<16xi32>
      %gather3A_124 = tpu.vector_load_idx %arg7[%and3A_123, %and3A_64] : memref<16x3328xf32, #tpu.memory_space<vmem>>[vector<16xi32>, vector<16xi32>], vector<16xf32>,
      %add3A_125 = arith.addf %add3A_117, %gather3A_124 : vector<16xf32>
      %add3A_126 = arith.constant 7 : i32
      %add3A_127 = vector.broadcast %add3A_126 : i32 to vector<16xi32>
      %add3A_128 = arith.addi %iota3A, %add3A_127 : vector<16xi32>
      %and3A_129 = arith.constant 15 : i32
      %and3A_130 = vector.broadcast %and3A_129 : i32 to vector<16xi32>
      %and3A_131 = arith.andi %add3A_128, %and3A_130 : vector<16xi32>
      %gather3A_132 = tpu.vector_load_idx %arg7[%and3A_131, %and3A_64] : memref<16x3328xf32, #tpu.memory_space<vmem>>[vector<16xi32>, vector<16xi32>], vector<16xf32>,
      %add3A_133 = arith.addf %add3A_125, %gather3A_132 : vector<16xf32>
      %add3A_134 = arith.constant 8 : i32
      %add3A_135 = vector.broadcast %add3A_134 : i32 to vector<16xi32>
      %add3A_136 = arith.addi %iota3A, %add3A_135 : vector<16xi32>
      %and3A_137 = arith.constant 15 : i32
      %and3A_138 = vector.broadcast %and3A_137 : i32 to vector<16xi32>
      %and3A_139 = arith.andi %add3A_136, %and3A_138 : vector<16xi32>
      %gather3A_140 = tpu.vector_load_idx %arg7[%and3A_139, %and3A_64] : memref<16x3328xf32, #tpu.memory_space<vmem>>[vector<16xi32>, vector<16xi32>], vector<16xf32>,
      %add3A_141 = arith.addf %add3A_133, %gather3A_140 : vector<16xf32>
      %add3A_142 = arith.constant 9 : i32
      %add3A_143 = vector.broadcast %add3A_142 : i32 to vector<16xi32>
      %add3A_144 = arith.addi %iota3A, %add3A_143 : vector<16xi32>
      %and3A_145 = arith.constant 15 : i32
      %and3A_146 = vector.broadcast %and3A_145 : i32 to vector<16xi32>
      %and3A_147 = arith.andi %add3A_144, %and3A_146 : vector<16xi32>
      %gather3A_148 = tpu.vector_load_idx %arg7[%and3A_147, %and3A_64] : memref<16x3328xf32, #tpu.memory_space<vmem>>[vector<16xi32>, vector<16xi32>], vector<16xf32>,
      %add3A_149 = arith.addf %add3A_141, %gather3A_148 : vector<16xf32>
      %add3A_150 = arith.constant 10 : i32
      %add3A_151 = vector.broadcast %add3A_150 : i32 to vector<16xi32>
      %add3A_152 = arith.addi %iota3A, %add3A_151 : vector<16xi32>
      %and3A_153 = arith.constant 15 : i32
      %and3A_154 = vector.broadcast %and3A_153 : i32 to vector<16xi32>
      %and3A_155 = arith.andi %add3A_152, %and3A_154 : vector<16xi32>
      %gather3A_156 = tpu.vector_load_idx %arg7[%and3A_155, %and3A_64] : memref<16x3328xf32, #tpu.memory_space<vmem>>[vector<16xi32>, vector<16xi32>], vector<16xf32>,
      %add3A_157 = arith.addf %add3A_149, %gather3A_156 : vector<16xf32>
      %add3A_158 = arith.constant 11 : i32
      %add3A_159 = vector.broadcast %add3A_158 : i32 to vector<16xi32>
      %add3A_160 = arith.addi %iota3A, %add3A_159 : vector<16xi32>
      %and3A_161 = arith.constant 15 : i32
      %and3A_162 = vector.broadcast %and3A_161 : i32 to vector<16xi32>
      %and3A_163 = arith.andi %add3A_160, %and3A_162 : vector<16xi32>
      %gather3A_164 = tpu.vector_load_idx %arg7[%and3A_163, %and3A_64] : memref<16x3328xf32, #tpu.memory_space<vmem>>[vector<16xi32>, vector<16xi32>], vector<16xf32>,
      %add3A_165 = arith.addf %add3A_157, %gather3A_164 : vector<16xf32>
      %add3A_166 = arith.constant 12 : i32
      %add3A_167 = vector.broadcast %add3A_166 : i32 to vector<16xi32>
      %add3A_168 = arith.addi %iota3A, %add3A_167 : vector<16xi32>
      %and3A_169 = arith.constant 15 : i32
      %and3A_170 = vector.broadcast %and3A_169 : i32 to vector<16xi32>
      %and3A_171 = arith.andi %add3A_168, %and3A_170 : vector<16xi32>
      %gather3A_172 = tpu.vector_load_idx %arg7[%and3A_171, %and3A_64] : memref<16x3328xf32, #tpu.memory_space<vmem>>[vector<16xi32>, vector<16xi32>], vector<16xf32>,
      %add3A_173 = arith.addf %add3A_165, %gather3A_172 : vector<16xf32>
      %add3A_174 = arith.constant 13 : i32
      %add3A_175 = vector.broadcast %add3A_174 : i32 to vector<16xi32>
      %add3A_176 = arith.addi %iota3A, %add3A_175 : vector<16xi32>
      %and3A_177 = arith.constant 15 : i32
      %and3A_178 = vector.broadcast %and3A_177 : i32 to vector<16xi32>
      %and3A_179 = arith.andi %add3A_176, %and3A_178 : vector<16xi32>
      %gather3A_180 = tpu.vector_load_idx %arg7[%and3A_179, %and3A_64] : memref<16x3328xf32, #tpu.memory_space<vmem>>[vector<16xi32>, vector<16xi32>], vector<16xf32>,
      %add3A_181 = arith.addf %add3A_173, %gather3A_180 : vector<16xf32>
      %add3A_182 = arith.constant 14 : i32
      %add3A_183 = vector.broadcast %add3A_182 : i32 to vector<16xi32>
      %add3A_184 = arith.addi %iota3A, %add3A_183 : vector<16xi32>
      %and3A_185 = arith.constant 15 : i32
      %and3A_186 = vector.broadcast %and3A_185 : i32 to vector<16xi32>
      %and3A_187 = arith.andi %add3A_184, %and3A_186 : vector<16xi32>
      %gather3A_188 = tpu.vector_load_idx %arg7[%and3A_187, %and3A_64] : memref<16x3328xf32, #tpu.memory_space<vmem>>[vector<16xi32>, vector<16xi32>], vector<16xf32>,
      %add3A_189 = arith.addf %add3A_181, %gather3A_188 : vector<16xf32>
      %add3A_190 = arith.constant 15 : i32
      %add3A_191 = vector.broadcast %add3A_190 : i32 to vector<16xi32>
      %add3A_192 = arith.addi %iota3A, %add3A_191 : vector<16xi32>
      %and3A_193 = arith.constant 15 : i32
      %and3A_194 = vector.broadcast %and3A_193 : i32 to vector<16xi32>
      %and3A_195 = arith.andi %add3A_192, %and3A_194 : vector<16xi32>
      %gather3A_196 = tpu.vector_load_idx %arg7[%and3A_195, %and3A_64] : memref<16x3328xf32, #tpu.memory_space<vmem>>[vector<16xi32>, vector<16xi32>], vector<16xf32>,
      %add3A_197 = arith.addf %add3A_189, %gather3A_196 : vector<16xf32>
      %neg3A = arith.constant 0.000000e+00 : f32
      %neg3A_198 = vector.broadcast %neg3A : f32 to vector<16xf32>
      %neg3A_199 = arith.subf %neg3A_198, %add3A_197 : vector<16xf32>
      %exp3A = math.exp %neg3A_199 : vector<16xf32>
      %add3A_200 = arith.constant 1.000000e+00 : f32
      %add3A_201 = vector.broadcast %add3A_200 : f32 to vector<16xf32>
      %add3A_202 = arith.addf %add3A_201, %exp3A : vector<16xf32>
      %div3A = arith.constant 1.000000e+00 : f32
      %div3A_203 = vector.broadcast %div3A : f32 to vector<16xf32>
      %div3A_204 = arith.divf %div3A_203, %add3A_202 : vector<16xf32>
      %swap3A = arith.index_cast %while3A_55 : i32 to index
      %swap3A_205 = arith.constant 0 : index
      %swap3A_206 = tpu.vector_load %arg10[%swap3A, %swap3A_205] {strides = array<i32>} : memref<128x16xf32, #tpu.memory_space<vmem>>, vector<16xf32>,
      tpu.vector_store %arg10[%swap3A, %swap3A_205], %div3A_204 {strides = array<i32>} : memref<128x16xf32, #tpu.memory_space<vmem>>, vector<16xf32>,
      %swap3A_207 = arith.index_cast %while3A_55 : i32 to index
      %swap3A_208 = arith.constant 0 : index
      %swap3A_209 = tpu.vector_load %arg11[%swap3A_207, %swap3A_208] {strides = array<i32>} : memref<128x16xi32, #tpu.memory_space<vmem>>, vector<16xi32>,
      tpu.vector_store %arg11[%swap3A_207, %swap3A_208], %shift_right_arithmetic3A_62 {strides = array<i32>} : memref<128x16xi32, #tpu.memory_space<vmem>>, vector<16xi32>,
    }
    %while3A_34 = arith.constant 1 : i32
    scf.for %while3A_55 = %while3A_32 to %while3A_28 step %while3A_34  : i32 {
      %mul3A_56 = arith.constant 16 : i32
      %mul3A_57 = arith.muli %while3A_55, %mul3A_56 : i32
      %get3A = arith.index_cast %mul3A_57 : i32 to index
      %get3A_58 = tpu.vector_load %arg8[%get3A] {strides = array<i32>} : memref<2048xi32, #tpu.memory_space<vmem>>, vector<16xi32>,
      %rem3A = arith.constant 4 : i32
      %rem3A_59 = arith.remsi %while3A_55, %rem3A : i32
      %shift_right_arithmetic3A_60 = arith.constant 12 : i32
      %shift_right_arithmetic3A_61 = vector.broadcast %shift_right_arithmetic3A_60 : i32 to vector<16xi32>
      %shift_right_arithmetic3A_62 = arith.shrsi %get3A_58, %shift_right_arithmetic3A_61 : vector<16xi32>
      %and3A = arith.constant 4095 : i32
      %and3A_63 = vector.broadcast %and3A : i32 to vector<16xi32>
      %and3A_64 = arith.andi %get3A_58, %and3A_63 : vector<16xi32>
      %and3A_65 = arith.constant 7 : i32
      %and3A_66 = vector.broadcast %and3A_65 : i32 to vector<16xi32>
      %and3A_67 = arith.andi %shift_right_arithmetic3A_62, %and3A_66 : vector<16xi32>
      %shift_left3A = arith.constant 4 : i32
      %shift_left3A_68 = vector.broadcast %shift_left3A : i32 to vector<16xi32>
      %shift_left3A_69 = arith.shli %and3A_67, %shift_left3A_68 : vector<16xi32>
      %broadcast_in_dim3A = arith.constant 0.000000e+00 : f32
      %broadcast_in_dim3A_70 = vector.broadcast %broadcast_in_dim3A : f32 to vector<16xf32>
      %add3A_71 = arith.constant 0 : i32
      %add3A_72 = vector.broadcast %add3A_71 : i32 to vector<16xi32>
      %add3A_73 = arith.addi %iota3A, %add3A_72 : vector<16xi32>
      %and3A_74 = arith.constant 15 : i32
      %and3A_75 = vector.broadcast %and3A_74 : i32 to vector<16xi32>
      %and3A_76 = arith.andi %add3A_73, %and3A_75 : vector<16xi32>
      %gather3A = tpu.vector_load_idx %arg7[%and3A_76, %and3A_64] : memref<16x3328xf32, #tpu.memory_space<vmem>>[vector<16xi32>, vector<16xi32>], vector<16xf32>,
      %add3A_77 = arith.addf %broadcast_in_dim3A_70, %gather3A : vector<16xf32>
      %add3A_78 = arith.constant 1 : i32
      %add3A_79 = vector.broadcast %add3A_78 : i32 to vector<16xi32>
      %add3A_80 = arith.addi %iota3A, %add3A_79 : vector<16xi32>
      %and3A_81 = arith.constant 15 : i32
      %and3A_82 = vector.broadcast %and3A_81 : i32 to vector<16xi32>
      %and3A_83 = arith.andi %add3A_80, %and3A_82 : vector<16xi32>
      %gather3A_84 = tpu.vector_load_idx %arg7[%and3A_83, %and3A_64] : memref<16x3328xf32, #tpu.memory_space<vmem>>[vector<16xi32>, vector<16xi32>], vector<16xf32>,
      %add3A_85 = arith.addf %add3A_77, %gather3A_84 : vector<16xf32>
      %add3A_86 = arith.constant 2 : i32
      %add3A_87 = vector.broadcast %add3A_86 : i32 to vector<16xi32>
      %add3A_88 = arith.addi %iota3A, %add3A_87 : vector<16xi32>
      %and3A_89 = arith.constant 15 : i32
      %and3A_90 = vector.broadcast %and3A_89 : i32 to vector<16xi32>
      %and3A_91 = arith.andi %add3A_88, %and3A_90 : vector<16xi32>
      %gather3A_92 = tpu.vector_load_idx %arg7[%and3A_91, %and3A_64] : memref<16x3328xf32, #tpu.memory_space<vmem>>[vector<16xi32>, vector<16xi32>], vector<16xf32>,
      %add3A_93 = arith.addf %add3A_85, %gather3A_92 : vector<16xf32>
      %add3A_94 = arith.constant 3 : i32
      %add3A_95 = vector.broadcast %add3A_94 : i32 to vector<16xi32>
      %add3A_96 = arith.addi %iota3A, %add3A_95 : vector<16xi32>
      %and3A_97 = arith.constant 15 : i32
      %and3A_98 = vector.broadcast %and3A_97 : i32 to vector<16xi32>
      %and3A_99 = arith.andi %add3A_96, %and3A_98 : vector<16xi32>
      %gather3A_100 = tpu.vector_load_idx %arg7[%and3A_99, %and3A_64] : memref<16x3328xf32, #tpu.memory_space<vmem>>[vector<16xi32>, vector<16xi32>], vector<16xf32>,
      %add3A_101 = arith.addf %add3A_93, %gather3A_100 : vector<16xf32>
      %add3A_102 = arith.constant 4 : i32
      %add3A_103 = vector.broadcast %add3A_102 : i32 to vector<16xi32>
      %add3A_104 = arith.addi %iota3A, %add3A_103 : vector<16xi32>
      %and3A_105 = arith.constant 15 : i32
      %and3A_106 = vector.broadcast %and3A_105 : i32 to vector<16xi32>
      %and3A_107 = arith.andi %add3A_104, %and3A_106 : vector<16xi32>
      %gather3A_108 = tpu.vector_load_idx %arg7[%and3A_107, %and3A_64] : memref<16x3328xf32, #tpu.memory_space<vmem>>[vector<16xi32>, vector<16xi32>], vector<16xf32>,
      %add3A_109 = arith.addf %add3A_101, %gather3A_108 : vector<16xf32>
      %add3A_110 = arith.constant 5 : i32
      %add3A_111 = vector.broadcast %add3A_110 : i32 to vector<16xi32>
      %add3A_112 = arith.addi %iota3A, %add3A_111 : vector<16xi32>
      %and3A_113 = arith.constant 15 : i32
      %and3A_114 = vector.broadcast %and3A_113 : i32 to vector<16xi32>
      %and3A_115 = arith.andi %add3A_112, %and3A_114 : vector<16xi32>
      %gather3A_116 = tpu.vector_load_idx %arg7[%and3A_115, %and3A_64] : memref<16x3328xf32, #tpu.memory_space<vmem>>[vector<16xi32>, vector<16xi32>], vector<16xf32>,
      %add3A_117 = arith.addf %add3A_109, %gather3A_116 : vector<16xf32>
      %add3A_118 = arith.constant 6 : i32
      %add3A_119 = vector.broadcast %add3A_118 : i32 to vector<16xi32>
      %add3A_120 = arith.addi %iota3A, %add3A_119 : vector<16xi32>
      %and3A_121 = arith.constant 15 : i32
      %and3A_122 = vector.broadcast %and3A_121 : i32 to vector<16xi32>
      %and3A_123 = arith.andi %add3A_120, %and3A_122 : vector<16xi32>
      %gather3A_124 = tpu.vector_load_idx %arg7[%and3A_123, %and3A_64] : memref<16x3328xf32, #tpu.memory_space<vmem>>[vector<16xi32>, vector<16xi32>], vector<16xf32>,
      %add3A_125 = arith.addf %add3A_117, %gather3A_124 : vector<16xf32>
      %add3A_126 = arith.constant 7 : i32
      %add3A_127 = vector.broadcast %add3A_126 : i32 to vector<16xi32>
      %add3A_128 = arith.addi %iota3A, %add3A_127 : vector<16xi32>
      %and3A_129 = arith.constant 15 : i32
      %and3A_130 = vector.broadcast %and3A_129 : i32 to vector<16xi32>
      %and3A_131 = arith.andi %add3A_128, %and3A_130 : vector<16xi32>
      %gather3A_132 = tpu.vector_load_idx %arg7[%and3A_131, %and3A_64] : memref<16x3328xf32, #tpu.memory_space<vmem>>[vector<16xi32>, vector<16xi32>], vector<16xf32>,
      %add3A_133 = arith.addf %add3A_125, %gather3A_132 : vector<16xf32>
      %add3A_134 = arith.constant 8 : i32
      %add3A_135 = vector.broadcast %add3A_134 : i32 to vector<16xi32>
      %add3A_136 = arith.addi %iota3A, %add3A_135 : vector<16xi32>
      %and3A_137 = arith.constant 15 : i32
      %and3A_138 = vector.broadcast %and3A_137 : i32 to vector<16xi32>
      %and3A_139 = arith.andi %add3A_136, %and3A_138 : vector<16xi32>
      %gather3A_140 = tpu.vector_load_idx %arg7[%and3A_139, %and3A_64] : memref<16x3328xf32, #tpu.memory_space<vmem>>[vector<16xi32>, vector<16xi32>], vector<16xf32>,
      %add3A_141 = arith.addf %add3A_133, %gather3A_140 : vector<16xf32>
      %add3A_142 = arith.constant 9 : i32
      %add3A_143 = vector.broadcast %add3A_142 : i32 to vector<16xi32>
      %add3A_144 = arith.addi %iota3A, %add3A_143 : vector<16xi32>
      %and3A_145 = arith.constant 15 : i32
      %and3A_146 = vector.broadcast %and3A_145 : i32 to vector<16xi32>
      %and3A_147 = arith.andi %add3A_144, %and3A_146 : vector<16xi32>
      %gather3A_148 = tpu.vector_load_idx %arg7[%and3A_147, %and3A_64] : memref<16x3328xf32, #tpu.memory_space<vmem>>[vector<16xi32>, vector<16xi32>], vector<16xf32>,
      %add3A_149 = arith.addf %add3A_141, %gather3A_148 : vector<16xf32>
      %add3A_150 = arith.constant 10 : i32
      %add3A_151 = vector.broadcast %add3A_150 : i32 to vector<16xi32>
      %add3A_152 = arith.addi %iota3A, %add3A_151 : vector<16xi32>
      %and3A_153 = arith.constant 15 : i32
      %and3A_154 = vector.broadcast %and3A_153 : i32 to vector<16xi32>
      %and3A_155 = arith.andi %add3A_152, %and3A_154 : vector<16xi32>
      %gather3A_156 = tpu.vector_load_idx %arg7[%and3A_155, %and3A_64] : memref<16x3328xf32, #tpu.memory_space<vmem>>[vector<16xi32>, vector<16xi32>], vector<16xf32>,
      %add3A_157 = arith.addf %add3A_149, %gather3A_156 : vector<16xf32>
      %add3A_158 = arith.constant 11 : i32
      %add3A_159 = vector.broadcast %add3A_158 : i32 to vector<16xi32>
      %add3A_160 = arith.addi %iota3A, %add3A_159 : vector<16xi32>
      %and3A_161 = arith.constant 15 : i32
      %and3A_162 = vector.broadcast %and3A_161 : i32 to vector<16xi32>
      %and3A_163 = arith.andi %add3A_160, %and3A_162 : vector<16xi32>
      %gather3A_164 = tpu.vector_load_idx %arg7[%and3A_163, %and3A_64] : memref<16x3328xf32, #tpu.memory_space<vmem>>[vector<16xi32>, vector<16xi32>], vector<16xf32>,
      %add3A_165 = arith.addf %add3A_157, %gather3A_164 : vector<16xf32>
      %add3A_166 = arith.constant 12 : i32
      %add3A_167 = vector.broadcast %add3A_166 : i32 to vector<16xi32>
      %add3A_168 = arith.addi %iota3A, %add3A_167 : vector<16xi32>
      %and3A_169 = arith.constant 15 : i32
      %and3A_170 = vector.broadcast %and3A_169 : i32 to vector<16xi32>
      %and3A_171 = arith.andi %add3A_168, %and3A_170 : vector<16xi32>
      %gather3A_172 = tpu.vector_load_idx %arg7[%and3A_171, %and3A_64] : memref<16x3328xf32, #tpu.memory_space<vmem>>[vector<16xi32>, vector<16xi32>], vector<16xf32>,
      %add3A_173 = arith.addf %add3A_165, %gather3A_172 : vector<16xf32>
      %add3A_174 = arith.constant 13 : i32
      %add3A_175 = vector.broadcast %add3A_174 : i32 to vector<16xi32>
      %add3A_176 = arith.addi %iota3A, %add3A_175 : vector<16xi32>
      %and3A_177 = arith.constant 15 : i32
      %and3A_178 = vector.broadcast %and3A_177 : i32 to vector<16xi32>
      %and3A_179 = arith.andi %add3A_176, %and3A_178 : vector<16xi32>
      %gather3A_180 = tpu.vector_load_idx %arg7[%and3A_179, %and3A_64] : memref<16x3328xf32, #tpu.memory_space<vmem>>[vector<16xi32>, vector<16xi32>], vector<16xf32>,
      %add3A_181 = arith.addf %add3A_173, %gather3A_180 : vector<16xf32>
      %add3A_182 = arith.constant 14 : i32
      %add3A_183 = vector.broadcast %add3A_182 : i32 to vector<16xi32>
      %add3A_184 = arith.addi %iota3A, %add3A_183 : vector<16xi32>
      %and3A_185 = arith.constant 15 : i32
      %and3A_186 = vector.broadcast %and3A_185 : i32 to vector<16xi32>
      %and3A_187 = arith.andi %add3A_184, %and3A_186 : vector<16xi32>
      %gather3A_188 = tpu.vector_load_idx %arg7[%and3A_187, %and3A_64] : memref<16x3328xf32, #tpu.memory_space<vmem>>[vector<16xi32>, vector<16xi32>], vector<16xf32>,
      %add3A_189 = arith.addf %add3A_181, %gather3A_188 : vector<16xf32>
      %add3A_190 = arith.constant 15 : i32
      %add3A_191 = vector.broadcast %add3A_190 : i32 to vector<16xi32>
      %add3A_192 = arith.addi %iota3A, %add3A_191 : vector<16xi32>
      %and3A_193 = arith.constant 15 : i32
      %and3A_194 = vector.broadcast %and3A_193 : i32 to vector<16xi32>
      %and3A_195 = arith.andi %add3A_192, %and3A_194 : vector<16xi32>
      %gather3A_196 = tpu.vector_load_idx %arg7[%and3A_195, %and3A_64] : memref<16x3328xf32, #tpu.memory_space<vmem>>[vector<16xi32>, vector<16xi32>], vector<16xf32>,
      %add3A_197 = arith.addf %add3A_189, %gather3A_196 : vector<16xf32>
      %neg3A = arith.constant 0.000000e+00 : f32
      %neg3A_198 = vector.broadcast %neg3A : f32 to vector<16xf32>
      %neg3A_199 = arith.subf %neg3A_198, %add3A_197 : vector<16xf32>
      %exp3A = math.exp %neg3A_199 : vector<16xf32>
      %add3A_200 = arith.constant 1.000000e+00 : f32
      %add3A_201 = vector.broadcast %add3A_200 : f32 to vector<16xf32>
      %add3A_202 = arith.addf %add3A_201, %exp3A : vector<16xf32>
      %div3A = arith.constant 1.000000e+00 : f32
      %div3A_203 = vector.broadcast %div3A : f32 to vector<16xf32>
      %div3A_204 = arith.divf %div3A_203, %add3A_202 : vector<16xf32>
      %swap3A = arith.index_cast %while3A_55 : i32 to index
      %swap3A_205 = arith.constant 0 : index
      %swap3A_206 = tpu.vector_load %arg10[%swap3A, %swap3A_205] {strides = array<i32>} : memref<128x16xf32, #tpu.memory_space<vmem>>, vector<16xf32>,
      tpu.vector_store %arg10[%swap3A, %swap3A_205], %div3A_204 {strides = array<i32>} : memref<128x16xf32, #tpu.memory_space<vmem>>, vector<16xf32>,
      %swap3A_207 = arith.index_cast %while3A_55 : i32 to index
      %swap3A_208 = arith.constant 0 : index
      %swap3A_209 = tpu.vector_load %arg11[%swap3A_207, %swap3A_208] {strides = array<i32>} : memref<128x16xi32, #tpu.memory_space<vmem>>, vector<16xi32>,
      tpu.vector_store %arg11[%swap3A_207, %swap3A_208], %shift_right_arithmetic3A_62 {strides = array<i32>} : memref<128x16xi32, #tpu.memory_space<vmem>>, vector<16xi32>,
    }
    %while3A_35 = arith.constant 0 : i32
    %while3A_36 = arith.constant 0 : i32
    %while3A_37 = arith.subi %shift_right_arithmetic3A_22, %while3A_36 : i32
    %while3A_38 = arith.addi %while3A_36, %while3A_37 : i32
    %while3A_39 = arith.constant 1 : i32
    %while3A_40 = arith.divsi %while3A_37, %while3A_39 : i32
    %while3A_41 = arith.muli %while3A_40, %while3A_39 : i32
    %while3A_42 = arith.addi %while3A_36, %while3A_41 : i32
    %while3A_43 = arith.constant 1 : i32
    scf.for %while3A_55 = %while3A_36 to %while3A_42 step %while3A_43  : i32 {
      %dma_start3A_56 = arith.constant 0 : i32
      %dma_start3A_57 = tpu.memref_slice %arg10[%while3A_55, %dma_start3A_56] : memref<128x16xf32, #tpu.memory_space<vmem>> -> memref<1x16xf32, #tpu.memory_space<vmem>>
      %dma_start3A_58 = tpu.memref_squeeze %dma_start3A_57 : memref<1x16xf32, #tpu.memory_space<vmem>> -> memref<16xf32, #tpu.memory_space<vmem>>
      %dma_start3A_59 = arith.constant 0 : i32
      %dma_start3A_60 = tpu.memref_slice %arg11[%while3A_55, %dma_start3A_59] : memref<128x16xi32, #tpu.memory_space<vmem>> -> memref<1x16xi32, #tpu.memory_space<vmem>>
      %dma_start3A_61 = tpu.memref_squeeze %dma_start3A_60 : memref<1x16xi32, #tpu.memory_space<vmem>> -> memref<16xi32, #tpu.memory_space<vmem>>
      %dma_start3A_62 = arith.constant 0 : i32
      %dma_start3A_63 = tpu.memref_slice %arg12[%dma_start3A_62] : memref<16384xf32, #tpu.memory_space<vmem_shared>> -> memref<16384xf32, #tpu.memory_space<vmem_shared>>
      tpu.enqueue_indirect_dma source(%dma_start3A_58 : memref<16xf32, #tpu.memory_space<vmem>>) target(%dma_start3A_63 : memref<16384xf32, #tpu.memory_space<vmem_shared>>) offsets(%dma_start3A_61 : memref<16xi32, #tpu.memory_space<vmem>>) semaphore(%arg15 : memref<!tpu.dma_semaphore, #tpu.memory_space<semaphore_mem>>)
    }
    %while3A_44 = arith.constant 1 : i32
    scf.for %while3A_55 = %while3A_42 to %while3A_38 step %while3A_44  : i32 {
      %dma_start3A_56 = arith.constant 0 : i32
      %dma_start3A_57 = tpu.memref_slice %arg10[%while3A_55, %dma_start3A_56] : memref<128x16xf32, #tpu.memory_space<vmem>> -> memref<1x16xf32, #tpu.memory_space<vmem>>
      %dma_start3A_58 = tpu.memref_squeeze %dma_start3A_57 : memref<1x16xf32, #tpu.memory_space<vmem>> -> memref<16xf32, #tpu.memory_space<vmem>>
      %dma_start3A_59 = arith.constant 0 : i32
      %dma_start3A_60 = tpu.memref_slice %arg11[%while3A_55, %dma_start3A_59] : memref<128x16xi32, #tpu.memory_space<vmem>> -> memref<1x16xi32, #tpu.memory_space<vmem>>
      %dma_start3A_61 = tpu.memref_squeeze %dma_start3A_60 : memref<1x16xi32, #tpu.memory_space<vmem>> -> memref<16xi32, #tpu.memory_space<vmem>>
      %dma_start3A_62 = arith.constant 0 : i32
      %dma_start3A_63 = tpu.memref_slice %arg12[%dma_start3A_62] : memref<16384xf32, #tpu.memory_space<vmem_shared>> -> memref<16384xf32, #tpu.memory_space<vmem_shared>>
      tpu.enqueue_indirect_dma source(%dma_start3A_58 : memref<16xf32, #tpu.memory_space<vmem>>) target(%dma_start3A_63 : memref<16384xf32, #tpu.memory_space<vmem_shared>>) offsets(%dma_start3A_61 : memref<16xi32, #tpu.memory_space<vmem>>) semaphore(%arg15 : memref<!tpu.dma_semaphore, #tpu.memory_space<semaphore_mem>>)
    }
    %while3A_45 = arith.constant 0 : i32
    %while3A_46 = arith.constant 0 : i32
    %while3A_47 = arith.subi %shift_right_arithmetic3A_22, %while3A_46 : i32
    %while3A_48 = arith.addi %while3A_46, %while3A_47 : i32
    %while3A_49 = arith.constant 1 : i32
    %while3A_50 = arith.divsi %while3A_47, %while3A_49 : i32
    %while3A_51 = arith.muli %while3A_50, %while3A_49 : i32
    %while3A_52 = arith.addi %while3A_46, %while3A_51 : i32
    %while3A_53 = arith.constant 1 : i32
    scf.for %while3A_55 = %while3A_46 to %while3A_52 step %while3A_53  : i32 {
      %dma_wait3A_56 = arith.constant 0 : i32
      %dma_wait3A_57 = arith.constant 0 : i32
      %dma_wait3A_58 = arith.constant 0 : i32
      %dma_wait3A_59 = tpu.memref_slice %arg10[%dma_wait3A_56, %dma_wait3A_58] : memref<128x16xf32, #tpu.memory_space<vmem>> -> memref<1x16xf32, #tpu.memory_space<vmem>>
      %dma_wait3A_60 = tpu.memref_squeeze %dma_wait3A_59 : memref<1x16xf32, #tpu.memory_space<vmem>> -> memref<16xf32, #tpu.memory_space<vmem>>
      %dma_wait3A_61 = arith.constant 0 : i32
      %dma_wait3A_62 = tpu.memref_slice %arg11[%dma_wait3A_57, %dma_wait3A_61] : memref<128x16xi32, #tpu.memory_space<vmem>> -> memref<1x16xi32, #tpu.memory_space<vmem>>
      %dma_wait3A_63 = tpu.memref_squeeze %dma_wait3A_62 : memref<1x16xi32, #tpu.memory_space<vmem>> -> memref<16xi32, #tpu.memory_space<vmem>>
      %dma_wait3A_64 = arith.constant 0 : i32
      %dma_wait3A_65 = tpu.memref_slice %arg12[%dma_wait3A_64] : memref<16384xf32, #tpu.memory_space<vmem_shared>> -> memref<16384xf32, #tpu.memory_space<vmem_shared>>
      tpu.wait_indirect_dma semaphore(%arg15 : memref<!tpu.dma_semaphore, #tpu.memory_space<semaphore_mem>>) src(%dma_wait3A_60 : memref<16xf32, #tpu.memory_space<vmem>>) dst(%dma_wait3A_65 : memref<16384xf32, #tpu.memory_space<vmem_shared>>)
    }
    %while3A_54 = arith.constant 1 : i32
    scf.for %while3A_55 = %while3A_52 to %while3A_48 step %while3A_54  : i32 {
      %dma_wait3A_56 = arith.constant 0 : i32
      %dma_wait3A_57 = arith.constant 0 : i32
      %dma_wait3A_58 = arith.constant 0 : i32
      %dma_wait3A_59 = tpu.memref_slice %arg10[%dma_wait3A_56, %dma_wait3A_58] : memref<128x16xf32, #tpu.memory_space<vmem>> -> memref<1x16xf32, #tpu.memory_space<vmem>>
      %dma_wait3A_60 = tpu.memref_squeeze %dma_wait3A_59 : memref<1x16xf32, #tpu.memory_space<vmem>> -> memref<16xf32, #tpu.memory_space<vmem>>
      %dma_wait3A_61 = arith.constant 0 : i32
      %dma_wait3A_62 = tpu.memref_slice %arg11[%dma_wait3A_57, %dma_wait3A_61] : memref<128x16xi32, #tpu.memory_space<vmem>> -> memref<1x16xi32, #tpu.memory_space<vmem>>
      %dma_wait3A_63 = tpu.memref_squeeze %dma_wait3A_62 : memref<1x16xi32, #tpu.memory_space<vmem>> -> memref<16xi32, #tpu.memory_space<vmem>>
      %dma_wait3A_64 = arith.constant 0 : i32
      %dma_wait3A_65 = tpu.memref_slice %arg12[%dma_wait3A_64] : memref<16384xf32, #tpu.memory_space<vmem_shared>> -> memref<16384xf32, #tpu.memory_space<vmem_shared>>
      tpu.wait_indirect_dma semaphore(%arg15 : memref<!tpu.dma_semaphore, #tpu.memory_space<semaphore_mem>>) src(%dma_wait3A_60 : memref<16xf32, #tpu.memory_space<vmem>>) dst(%dma_wait3A_65 : memref<16384xf32, #tpu.memory_space<vmem_shared>>)
    }
    return
  }
}

</mosaic_0001>

<sc_bundles>
// kernel: kernel.3.cloned.1.call-start
scs
__scs_entry_jumppad:
0x0: {  	(pc) =	sbr.rel $0x88, $3  }
0x1: {  	(tag) =	ssettag $0x0;
	lr =	simm.s32 $0x1  }
0x2: {  	[smem:$0x3F9E] =	sst lr;
	_ =	strace $0xD0000000  }
0x3: {  	_ = 	snop  }
0x4: {  	_ = 	snop  }
0x5: {  	_ = 	snop  }
0x6: {  	_ = 	snop  }
0x7: {  	_ = 	snop  }
__scs_overlays_trampoline_lowered:
0x8: {  	[smem:$0x3FAD] =	sst s0  }
0x9: {  	[smem:$0x3FAE] =	sst s1  }
0xa: {  	[smem:$0x3FAF] =	sst s2  }
0xb: {  	[smem:$0x3FB0] =	sst s3  }
0xc: {  	[smem:$0x3FB1] =	sst s4  }
0xd: {  	[smem:$0x3FB2] =	sst s5  }
0xe: {  	[smem:$0x3FB3] =	sst s6  }
0xf: {  	[smem:$0x3FB4] =	sst s7  }
0x10: {  	[smem:$0x3FB5] =	sst s8  }
0x11: {  	[smem:$0x3FB6] =	sst s9;
	s0 =	simm.s32 @!p0 $0x0  }
0x12: {  	s1 =	sld [smem:$0x3F9C];
	s0 =	simm.s32 @p0 $0x1  }
0x13: {  	[smem:$0x3FB7] =	sst s0;
	s0 =	simm.s32 @!p1 $0x0  }
0x14: {  	s2 =	sld [smem:$0x3F9B];
	s0 =	simm.s32 @p1 $0x1  }
0x15: {  	[smem:$0x3FB8] =	sst s0;
	s0 =	simm.s32 @!p2 $0x0  }
0x16: {  	s3 =	sld [smem:$0x3FDB];
	s0 =	simm.s32 @p2 $0x1  }
0x17: {  	s4 =	simm.s32 $0x1BF5;
	[smem:$0x3FBA] =	sst s0  }
0x18: {  	s0 =	sld [smem:$0x3F9D];
	_ =	swait.ge [sflag:s4], $0x0  }
0x19: {  	s7 =	sld [smem:$0x3F9E]  }
0x1a: {  	s8 =	sadd.s32 $0xFFFFE003, lr  }
0x1b: {  	s9 =	sadd.s32 $0xFFFFFEF7, lr;
	s5 =	simm.s32 $0xFFFFFFFF;
	p2 =	slt.u32 s8, $0xFFFFF086  }
0x1c: {  	p1 =	slt.u32 s9, $0xF7A;
	s5 =	simm.s32 @!p2 $0x0  }
0x1d: {  	s5 =	simm.s32 @p1 $0x1;
	p0 =	seq.s32 s7, s2  }
0x1e: {  	s7 =	smul.u32 @!p0 $0xF7A, s2;
	p2 =	seq.s32 @!p0 s5, $0x0  }
0x1f: {  	s9 =	smul.u32 $0xF7A, s1;
	s8 =	simm.s32 @!p0 $0x1BF5;
	p2 =	por !p2, p0  }
0x20: {  	[sflag:s8] =	ssyncset.s32 @!p0 $0xFFFFF086;
	s6 =	sadd.s32 @!p0 s3, s7;
	s7 =	simm.s32 @!p0 $0x108  }
0x21: {  	s3 =	sadd.s32 s3, s9;
	s6 =	sadd.s32 @!p0 $0x88, s6;
	s7 =	simm.s32 @p2 $0x1082  }
0x22: {  	[simem:s7], [sflag:s8] =	dma.local @!p0 [hbm:s6], $0xF7A  }
0x23: {  	s9 =	sor.u32 $0xD0000000, s2;
	s6 =	simm.s32 $0x108;
	_ =	swait.ge @!p0 [sflag:s8], $0x0  }
0x24: {  	s3 =	sadd.s32 $0x88, s3;
	s6 =	simm.s32 @!p1 $0x1082;
	[sflag:s4] =	ssyncset.s32 $0xFFFFF086  }
0x25: {  	[simem:s6], [sflag:s4] =	dma.local [hbm:s3], $0xF7A  }
0x26: {  	[smem:$0x3F9E] =	sst s1;
	(tag) =	ssettag s2;
	_ =	strace s9  }
0x27: {  	s1 =	sld [smem:$0x3FAE]  }
0x28: {  	s2 =	sld [smem:$0x3FAF]  }
0x29: {  	s4 =	sld [smem:$0x3FB1]  }
0x2a: {  	p0 =	seq.s32 s5, $0x0;
	s5 =	sld [smem:$0x3FB2]  }
0x2b: {  	s6 =	sld [smem:$0x3FB3]  }
0x2c: {  	s7 =	sld [smem:$0x3FB4]  }
0x2d: {  	s3 =	simm.s32 $0x108;
	s8 =	sld [smem:$0x3FB5]  }
0x2e: {  	s3 =	simm.s32 @!p0 $0x1082;
	s9 =	sld [smem:$0x3FB6]  }
0x2f: {  	lr =	sadd.s32 s0, s3;
	s0 =	sld [smem:$0x3FAD]  }
0x30: {  	s3 =	sld [smem:$0x3FB0]  }
0x31: {  	[smem:$0x3FB9] =	sst s10  }
0x32: {  	s10 =	sld [smem:$0x3FB7];
	_ =	sdelay $0x3  }
0x33: {  	p0 =	seq.s32 s10, $0x1;
	s10 =	sld [smem:$0x3FB9];
	_ =	sdelay $0x3  }
0x34: {  	[smem:$0x3FB9] =	sst s10  }
0x35: {  	s10 =	sld [smem:$0x3FB8];
	_ =	sdelay $0x3  }
0x36: {  	p1 =	seq.s32 s10, $0x1;
	s10 =	sld [smem:$0x3FB9];
	_ =	sdelay $0x3  }
0x37: {  	[smem:$0x3FB9] =	sst s10  }
0x38: {  	s10 =	sld [smem:$0x3FBA]  }
0x39: {  	_ = 	snop;
	(pc) =	sbr.ind lr, $3  }
0x3a: {  	_ = 	snop  }
0x3b: {  	_ = 	snop  }
0x3c: {  	p2 =	seq.s32 s10, $0x1;
	s10 =	sld [smem:$0x3FB9]  }
0x3d: {  	_ =	shalt  }
0x3e: {  	_ =	shalt  }
0x3f: {  	_ =	shalt  }
0x40: {  	_ =	shalt  }
0x41: {  	_ =	shalt  }
0x42: {  	_ =	shalt  }
0x43: {  	_ =	shalt  }
0x44: {  	_ =	shalt  }
0x45: {  	_ =	shalt  }
0x46: {  	_ =	shalt  }
0x47: {  	_ =	shalt  }
0x48: {  	_ =	shalt  }
0x49: {  	_ =	shalt  }
0x4a: {  	_ =	shalt  }
0x4b: {  	_ =	shalt  }
0x4c: {  	_ =	shalt  }
0x4d: {  	_ =	shalt  }
0x4e: {  	_ =	shalt  }
0x4f: {  	_ =	shalt  }
0x50: {  	_ =	shalt  }
0x51: {  	_ =	shalt  }
0x52: {  	_ =	shalt  }
0x53: {  	_ =	shalt  }
0x54: {  	_ =	shalt  }
0x55: {  	_ =	shalt  }
0x56: {  	_ =	shalt  }
0x57: {  	_ =	shalt  }
0x58: {  	_ =	shalt  }
0x59: {  	_ =	shalt  }
0x5a: {  	_ =	shalt  }
0x5b: {  	_ =	shalt  }
0x5c: {  	_ =	shalt  }
0x5d: {  	_ =	shalt  }
0x5e: {  	_ =	shalt  }
0x5f: {  	_ =	shalt  }
0x60: {  	_ =	shalt  }
0x61: {  	_ =	shalt  }
0x62: {  	_ =	shalt  }
0x63: {  	_ =	shalt  }
0x64: {  	_ =	shalt  }
0x65: {  	_ =	shalt  }
0x66: {  	_ =	shalt  }
0x67: {  	_ =	shalt  }
0x68: {  	_ =	shalt  }
0x69: {  	_ =	shalt  }
0x6a: {  	_ =	shalt  }
0x6b: {  	_ =	shalt  }
0x6c: {  	_ =	shalt  }
0x6d: {  	_ =	shalt  }
0x6e: {  	_ =	shalt  }
0x6f: {  	_ =	shalt  }
0x70: {  	_ =	shalt  }
0x71: {  	_ =	shalt  }
0x72: {  	_ =	shalt  }
0x73: {  	_ =	shalt  }
0x74: {  	_ =	shalt  }
0x75: {  	_ =	shalt  }
0x76: {  	_ =	shalt  }
0x77: {  	_ =	shalt  }
0x78: {  	_ =	shalt  }
0x79: {  	_ =	shalt  }
0x7a: {  	_ =	shalt  }
0x7b: {  	_ =	shalt  }
0x7c: {  	_ =	shalt  }
0x7d: {  	_ =	shalt  }
0x7e: {  	_ =	shalt  }
0x7f: {  	_ =	shalt  }
0x80: {  	_ =	shalt  }
0x81: {  	_ =	shalt  }
0x82: {  	_ =	shalt  }
0x83: {  	_ =	shalt  }
0x84: {  	_ =	shalt  }
0x85: {  	_ =	shalt  }
0x86: {  	_ =	shalt  }
0x87: {  	_ =	shalt  }
.Lfunc_end0:
.L_simem_size_0:
called_computation_lowered:
.L_overlay_start_0:
0x88: {  	s2 =	sld [smem:$0x3FD9]  }
0x89: {  	s3 =	sld [smem:$0x3FFE];
	_ =	sdelay $0x1  }
0x8a: {  	s1 =	srdreg.scid  }
0x8b: {  	s0 =	sand.u32 $0x1, s1  }
0x8c: {  	s18 =	sshll.u32 s0, $0xA;
	s2 =	sadd.s32 s3, s2  }
0x8d: {  	s2 =	sadd.s32 s2, s18  }
0x8e: {  	[smem:$0x3FC5] =	sst s2  }
0x8f: {  	_ = 	snop  }
0x90: {  	s2 =	sld [smem:$0x3FC8]  }
0x91: {  	s19 =	sld [smem:$0x3FC7];
	(tm) =	ssettm $0x1  }
0x92: {  	s4 =	sld [smem:$0x3FFB];
	_ =	sdelay $0x3  }
0x93: {  	_ =	strace s4  }
0x94: {  	s4 =	sld [smem:$0x3FFC];
	_ =	sdelay $0x3  }
0x95: {  	_ =	strace s4  }
0x96: {  	s4 =	sld [smem:$0x3FFD];
	_ =	sdelay $0x3  }
0x97: {  	_ =	strace s4  }
0x98: {  	_ =	strace $0x8FFFFFFF  }
0x99: {  	s20 =	sld [smem:$0x3FDB];
	_ =	sdelay $0x1  }
0x9a: {  	s5 =	simm.s32 $_scs_section_size  }
0x9b: {  	s6 =	simm.s32 $_size__tile_overlayer_lowered;
	s7 =	simm.s32 $_tile_overlayer_lowered  }
0x9c: {  	s23 =	simm.s32 $0x1BFF;
	s22 =	sshll.u32 s7, $0x1;
	s4 =	sadd.s32 s5, s20  }
0x9d: {  	s8 =	simm.s32 $0x0;
	s21 =	sshll.u32 s6, $0x1;
	s6 =	sadd.s32 s22, s4  }
0x9e: {  	[timem:s8], [sflag:s23] =	dma.local [hbm:s6], s21  }
0x9f: {  	_ =	swait.ge [sflag:s23], s21  }
0xa0: {  	s5 =	ssub.s32 $0x0, s21;
	[sflag:s23] =	ssyncset.done $0x0  }
0xa1: {  	[sflag:s23] =	ssyncadd.s32 s5;
	_ =	sdelay $0x1  }
0xa2: {  	s24 =	simm.s32 $0x1B8B  }
0xa3: {  	_ =	swait.ge [sflag:s24], $0x1  }
0xa4: {  	[sflag:s24] =	ssyncset.done $0x0  }
0xa5: {  	s25 =	simm.s32 $0x1B8E;
	[sflag:s24] =	ssyncadd.s32 $0xFFFFFFFF  }
0xa6: {  	s26 =	simm.s32 $execute0_lowered;
	[smem:$0x3FD2] =	sst s25  }
0xa7: {  	s5 =	sshll.u32 s26, $0x1;
	_ =	strace $0x80000046;
	[dreg:$0x1] =	wrdreg $0xFFFFFFFF  }
0xa8: {  	s28 =	simm.s32 $_size_execute0_lowered;
	s4 =	sadd.s32 s4, s5;
	[dreg:$0x0] =	wrdreg $0x0  }
0xa9: {  	s5 =	sshll.u32 s28, $0x1;
	[dreg:$0x2] =	wrdreg s4  }
0xaa: {  	[dreg:$0x3] =	wrdreg s5  }
0xab: {  	[dreg:$0x4] =	wrdreg $0xC0  }
0xac: {  	_ =	task [dreg:s8], $0x5FFFF  }
0xad: {  	[dreg:$0x1] =	wrdreg $0xFFFFFFFF  }
0xae: {  	[dreg:$0x0] =	wrdreg $0x60  }
0xaf: {  	[dreg:$0x2] =	wrdreg s2  }
0xb0: {  	[dreg:$0x3] =	wrdreg s19  }
0xb1: {  	[dreg:$0x4] =	wrdreg $0x198000  }
0xb2: {  	[dreg:$0x5] =	wrdreg $0x9  }
0xb3: {  	_ =	task.clear_ibuf [dreg:s8], $0x6FFFF;
	_ =	strace $0x90000046  }
0xb4: {  	s29 =	simm.s32 $0x9;
	_ =	strace $0x80000048  }
0xb5: {  	_ =	swait.ge [sflag:s29], $0x1  }
0xb6: {  	[sflag:s29] =	ssyncadd.s32 $0xFFFFFFFF  }
0xb7: {  	_ =	strace $0x90000048  }
0xb8: {  	_ =	sfence  }
0xb9: {  	s30 =	sld [smem:$0x0];
	_ =	sdelay $0x2  }
0xba: {  	s31 =	sshll.u32 s1, $0xD;
	s1 =	sshrl.u32 s1, $0x2  }
0xbb: {  	s3 =	sand.u32 $0x4000, s31;
	s1 =	sadd.s32 s1, s30  }
0xbc: {  	s0 =	sor.u32 s3, s0;
	s1 =	sshll.u32 s1, $0x11  }
0xbd: {  	s0 =	sor.u32 s1, s0  }
0xbe: {  	s0 =	sadd.s32 $0x8F2B, s0  }
0xbf: {  	[sflag:s0] =	ssyncadd.remote.s32 $0x1  }
0xc0: {  	_ =	sfence.sel $0xFFFF  }
0xc1: {  	[dreg:$0x0] =	wrdreg $0xFFFFFFFF;
	(pc) =	sbr.abs _section_cstart, $3  }
0xc2: {  	[dreg:$0x1] =	wrdreg $0xFFFFFFFF  }
0xc3: {  	_ =	task.clear_ibuf [dreg:s8], $0x2FFFF;
	_ =	strace $0x9FFFFFFF  }
0xc4: {  	(tm) =	ssettm $0x7FFFFFFF  }
0xc5: {  	_ =	shalt  }
tec
execute0_lowered:
.L_overlay_start_1:
0x0: {  	(tag) =	ssettag $0x1  }
0x1: {  	vm13 =	vcmask $0x300;
	v0 =	vimm.s32 $0x6B80;
	vm14 =	vcmask $0x704  }
0x2: {  	vm12 =	vcmask $0xB08;
	vm11 =	vcmask $0xF0C;
	vm10 =	vcmask $0x1310  }
0x3: {  	vm9 =	vcmask $0x1714;
	vm6 =	vcmask $0x1B18;
	vm7 =	vcmask $0x1F1C  }
0x4: {  	vm8 =	vcmask $0x2320;
	vm5 =	vcmask $0x2724;
	vm4 =	vcmask $0x2B28  }
0x5: {  	vm3 =	vcmask $0x2F2C;
	vm2 =	vcmask $0x3330;
	vm0 =	vcmask $0x3734  }
0x6: {  	v3 =	vlaneseq.u32;
	vm1 =	vcmask $0x3B38;
	v5 =	vimm.s32 $0x0  }
0x7: {  	v6 =	vimm.s32 $0x80;
	v7 =	vimm.s32 $0x100;
	v8 =	vimm.s32 $0x180  }
0x8: {  	v9 =	vimm.s32 $0x200;
	v10 =	vimm.s32 $0x280;
	v11 =	vimm.s32 $0x300  }
0x9: {  	v12 =	vimm.s32 $0x380;
	v13 =	vimm.s32 $0x6800;
	v14 =	vimm.s32 $0x6880  }
0xa: {  	v15 =	vimm.s32 $0x6900;
	v16 =	vimm.s32 $0x6980;
	v17 =	vimm.s32 $0x6A00  }
0xb: {  	v18 =	vimm.s32 $0x6A80;
	v19 =	vimm.s32 $0x6B00;
	v0 =	vsel vm13, $0x0, v0  }
0xc: {  	v3 =	vmul.u32 $0x1000, v3;
	v5 =	vsel vm13, $0x80, v5;
	v6 =	vsel vm13, $0x100, v6  }
0xd: {  	v7 =	vsel vm13, $0x180, v7;
	v8 =	vsel vm13, $0x200, v8;
	v9 =	vsel vm13, $0x280, v9  }
0xe: {  	v10 =	vsel vm13, $0x300, v10;
	v11 =	vsel vm13, $0x380, v11;
	v12 =	vsel vm13, $0x6800, v12  }
0xf: {  	v13 =	vsel vm13, $0x6880, v13;
	v14 =	vsel vm13, $0x6900, v14;
	v15 =	vsel vm13, $0x6980, v15  }
0x10: {  	v16 =	vsel vm13, $0x6A00, v16;
	v17 =	vsel vm13, $0x6A80, v17;
	v18 =	vsel vm13, $0x6B00, v18  }
0x11: {  	v19 =	vsel vm13, $0x6B80, v19;
	v0 =	vsel vm14, $0x80, v0;
	v5 =	vsel vm14, $0x100, v5  }
0x12: {  	v6 =	vsel vm14, $0x180, v6;
	v7 =	vsel vm14, $0x200, v7;
	v8 =	vsel vm14, $0x280, v8  }
0x13: {  	v9 =	vsel vm14, $0x300, v9;
	v10 =	vsel vm14, $0x380, v10;
	v11 =	vsel vm14, $0x6800, v11  }
0x14: {  	v12 =	vsel vm14, $0x6880, v12;
	v13 =	vsel vm14, $0x6900, v13;
	v14 =	vsel vm14, $0x6980, v14  }
0x15: {  	v15 =	vsel vm14, $0x6A00, v15;
	v16 =	vsel vm14, $0x6A80, v16;
	v17 =	vsel vm14, $0x6B00, v17  }
0x16: {  	v18 =	vsel vm14, $0x6B80, v18;
	v19 =	vsel vm14, $0x0, v19;
	v0 =	vsel vm12, $0x100, v0  }
0x17: {  	v5 =	vsel vm12, $0x180, v5;
	v6 =	vsel vm12, $0x200, v6;
	v7 =	vsel vm12, $0x280, v7  }
0x18: {  	v8 =	vsel vm12, $0x300, v8;
	v9 =	vsel vm12, $0x380, v9;
	v10 =	vsel vm12, $0x6800, v10  }
0x19: {  	v11 =	vsel vm12, $0x6880, v11;
	v12 =	vsel vm12, $0x6900, v12;
	v13 =	vsel vm12, $0x6980, v13  }
0x1a: {  	v14 =	vsel vm12, $0x6A00, v14;
	v15 =	vsel vm12, $0x6A80, v15;
	v16 =	vsel vm12, $0x6B00, v16  }
0x1b: {  	v17 =	vsel vm12, $0x6B80, v17;
	v18 =	vsel vm12, $0x0, v18;
	v19 =	vsel vm12, $0x80, v19  }
0x1c: {  	v0 =	vsel vm11, $0x180, v0;
	v5 =	vsel vm11, $0x200, v5;
	v6 =	vsel vm11, $0x280, v6  }
0x1d: {  	v7 =	vsel vm11, $0x300, v7;
	v8 =	vsel vm11, $0x380, v8;
	v9 =	vsel vm11, $0x6800, v9  }
0x1e: {  	v10 =	vsel vm11, $0x6880, v10;
	v11 =	vsel vm11, $0x6900, v11;
	v12 =	vsel vm11, $0x6980, v12  }
0x1f: {  	v13 =	vsel vm11, $0x6A00, v13;
	v14 =	vsel vm11, $0x6A80, v14;
	v15 =	vsel vm11, $0x6B00, v15  }
0x20: {  	v16 =	vsel vm11, $0x6B80, v16;
	v17 =	vsel vm11, $0x0, v17;
	v18 =	vsel vm11, $0x80, v18  }
0x21: {  	v19 =	vsel vm11, $0x100, v19;
	v0 =	vsel vm10, $0x200, v0;
	v5 =	vsel vm10, $0x280, v5  }
0x22: {  	v6 =	vsel vm10, $0x300, v6;
	v7 =	vsel vm10, $0x380, v7;
	v8 =	vsel vm10, $0x6800, v8  }
0x23: {  	v9 =	vsel vm10, $0x6880, v9;
	v10 =	vsel vm10, $0x6900, v10;
	v11 =	vsel vm10, $0x6980, v11  }
0x24: {  	v12 =	vsel vm10, $0x6A00, v12;
	v13 =	vsel vm10, $0x6A80, v13;
	v14 =	vsel vm10, $0x6B00, v14  }
0x25: {  	v15 =	vsel vm10, $0x6B80, v15;
	v16 =	vsel vm10, $0x0, v16;
	v17 =	vsel vm10, $0x80, v17  }
0x26: {  	v18 =	vsel vm10, $0x100, v18;
	v19 =	vsel vm10, $0x180, v19;
	v0 =	vsel vm9, $0x280, v0  }
0x27: {  	v5 =	vsel vm9, $0x300, v5;
	v6 =	vsel vm9, $0x380, v6;
	v7 =	vsel vm9, $0x6800, v7  }
0x28: {  	v8 =	vsel vm9, $0x6880, v8;
	v9 =	vsel vm9, $0x6900, v9;
	v10 =	vsel vm9, $0x6980, v10  }
0x29: {  	v11 =	vsel vm9, $0x6A00, v11;
	v12 =	vsel vm9, $0x6A80, v12;
	v13 =	vsel vm9, $0x6B00, v13  }
0x2a: {  	v14 =	vsel vm9, $0x6B80, v14;
	v15 =	vsel vm9, $0x0, v15;
	v16 =	vsel vm9, $0x80, v16  }
0x2b: {  	v17 =	vsel vm9, $0x100, v17;
	v18 =	vsel vm9, $0x180, v18;
	v19 =	vsel vm9, $0x200, v19  }
0x2c: {  	v0 =	vsel vm6, $0x300, v0;
	v5 =	vsel vm6, $0x380, v5;
	v6 =	vsel vm6, $0x6800, v6  }
0x2d: {  	v7 =	vsel vm6, $0x6880, v7;
	v8 =	vsel vm6, $0x6900, v8;
	v9 =	vsel vm6, $0x6980, v9  }
0x2e: {  	v10 =	vsel vm6, $0x6A00, v10;
	v11 =	vsel vm6, $0x6A80, v11;
	v12 =	vsel vm6, $0x6B00, v12  }
0x2f: {  	v13 =	vsel vm6, $0x6B80, v13;
	v14 =	vsel vm6, $0x0, v14;
	v15 =	vsel vm6, $0x80, v15  }
0x30: {  	v16 =	vsel vm6, $0x100, v16;
	v17 =	vsel vm6, $0x180, v17;
	v18 =	vsel vm6, $0x200, v18  }
0x31: {  	v19 =	vsel vm6, $0x280, v19;
	v0 =	vsel vm7, $0x380, v0;
	v5 =	vsel vm7, $0x6800, v5  }
0x32: {  	v6 =	vsel vm7, $0x6880, v6;
	v7 =	vsel vm7, $0x6900, v7;
	v8 =	vsel vm7, $0x6980, v8  }
0x33: {  	v9 =	vsel vm7, $0x6A00, v9;
	v10 =	vsel vm7, $0x6A80, v10;
	v11 =	vsel vm7, $0x6B00, v11  }
0x34: {  	v12 =	vsel vm7, $0x6B80, v12;
	v13 =	vsel vm7, $0x0, v13;
	v14 =	vsel vm7, $0x80, v14  }
0x35: {  	v15 =	vsel vm7, $0x100, v15;
	v16 =	vsel vm7, $0x180, v16;
	v17 =	vsel vm7, $0x200, v17  }
0x36: {  	v18 =	vsel vm7, $0x280, v18;
	v19 =	vsel vm7, $0x300, v19;
	v0 =	vsel vm8, $0x6800, v0  }
0x37: {  	v5 =	vsel vm8, $0x6880, v5;
	v6 =	vsel vm8, $0x6900, v6;
	v7 =	vsel vm8, $0x6980, v7  }
0x38: {  	v8 =	vsel vm8, $0x6A00, v8;
	v9 =	vsel vm8, $0x6A80, v9;
	v10 =	vsel vm8, $0x6B00, v10  }
0x39: {  	v11 =	vsel vm8, $0x6B80, v11;
	v12 =	vsel vm8, $0x0, v12;
	v13 =	vsel vm8, $0x80, v13  }
0x3a: {  	v14 =	vsel vm8, $0x100, v14;
	v15 =	vsel vm8, $0x180, v15;
	v16 =	vsel vm8, $0x200, v16  }
0x3b: {  	v17 =	vsel vm8, $0x280, v17;
	v18 =	vsel vm8, $0x300, v18;
	v19 =	vsel vm8, $0x380, v19  }
0x3c: {  	s1 =	srdreg.scid;
	s0 =	stileid.u32;
	v0 =	vsel vm5, $0x6880, v0;
	v5 =	vsel vm5, $0x6900, v5;
	v6 =	vsel vm5, $0x6980, v6  }
0x3d: {  	s5 =	sand.u32 $0x1, s1;
	s31 =	sshll.u32 s0, $0x1;
	v7 =	vsel vm5, $0x6A00, v7;
	v8 =	vsel vm5, $0x6A80, v8;
	v9 =	vsel vm5, $0x6B00, v9  }
0x3e: {  	s1 =	sor.u32 s5, s31;
	v10 =	vsel vm5, $0x6B80, v10;
	v11 =	vsel vm5, $0x0, v11;
	v12 =	vsel vm5, $0x80, v12  }
0x3f: {  	s1 =	smul.u32 $0xC80, s1;
	v13 =	vsel vm5, $0x100, v13;
	v14 =	vsel vm5, $0x180, v14;
	v15 =	vsel vm5, $0x200, v15  }
0x40: {  	v16 =	vsel vm5, $0x280, v16;
	v17 =	vsel vm5, $0x300, v17;
	v18 =	vsel vm5, $0x380, v18  }
0x41: {  	v19 =	vsel vm5, $0x6800, v19;
	v1 =	vsel vm4, $0x6900, v0;
	v0 =	vmov s1  }
0x42: {  	v5 =	vsel vm4, $0x6980, v5;
	v6 =	vsel vm4, $0x6A00, v6;
	v7 =	vsel vm4, $0x6A80, v7  }
0x43: {  	v8 =	vsel vm4, $0x6B00, v8;
	v9 =	vsel vm4, $0x6B80, v9;
	v10 =	vsel vm4, $0x0, v10  }
0x44: {  	v11 =	vsel vm4, $0x80, v11;
	v12 =	vsel vm4, $0x100, v12;
	v13 =	vsel vm4, $0x180, v13  }
0x45: {  	v14 =	vsel vm4, $0x200, v14;
	v15 =	vsel vm4, $0x280, v15;
	v16 =	vsel vm4, $0x300, v16  }
0x46: {  	s2 =	sadd.s32 $0xC80, s1;
	v17 =	vsel vm4, $0x380, v17;
	v18 =	vsel vm4, $0x6800, v18;
	v19 =	vsel vm4, $0x6880, v19  }
0x47: {  	v2 =	vsel vm3, $0x6980, v1;
	v1 =	vmov s2;
	v5 =	vsel vm3, $0x6A00, v5  }
0x48: {  	v6 =	vsel vm3, $0x6A80, v6;
	v7 =	vsel vm3, $0x6B00, v7;
	v8 =	vsel vm3, $0x6B80, v8  }
0x49: {  	v9 =	vsel vm3, $0x0, v9;
	v10 =	vsel vm3, $0x80, v10;
	v11 =	vsel vm3, $0x100, v11  }
0x4a: {  	v12 =	vsel vm3, $0x180, v12;
	v13 =	vsel vm3, $0x200, v13;
	v14 =	vsel vm3, $0x280, v14  }
0x4b: {  	v15 =	vsel vm3, $0x300, v15;
	v16 =	vsel vm3, $0x380, v16;
	v17 =	vsel vm3, $0x6800, v17  }
0x4c: {  	v18 =	vsel vm3, $0x6880, v18;
	v19 =	vsel vm3, $0x6900, v19;
	v2 =	vsel vm2, $0x6A00, v2  }
0x4d: {  	v5 =	vsel vm2, $0x6A80, v5;
	v6 =	vsel vm2, $0x6B00, v6;
	v7 =	vsel vm2, $0x6B80, v7  }
0x4e: {  	v8 =	vsel vm2, $0x0, v8;
	v9 =	vsel vm2, $0x80, v9;
	v10 =	vsel vm2, $0x100, v10  }
0x4f: {  	v11 =	vsel vm2, $0x180, v11;
	v12 =	vsel vm2, $0x200, v12;
	v13 =	vsel vm2, $0x280, v13  }
0x50: {  	v14 =	vsel vm2, $0x300, v14;
	v15 =	vsel vm2, $0x380, v15;
	v16 =	vsel vm2, $0x6800, v16  }
0x51: {  	s6 =	smin.u32 s1, $0x17A00;
	v17 =	vsel vm2, $0x6880, v17;
	v18 =	vsel vm2, $0x6900, v18;
	v19 =	vsel vm2, $0x6980, v19  }
0x52: {  	v4 =	vsel vm0, $0x6A80, v2;
	v2 =	vmov s6;
	v5 =	vsel vm0, $0x6B00, v5  }
0x53: {  	v6 =	vsel vm0, $0x6B80, v6;
	v7 =	vsel vm0, $0x0, v7;
	v8 =	vsel vm0, $0x80, v8  }
0x54: {  	v9 =	vsel vm0, $0x100, v9;
	v10 =	vsel vm0, $0x180, v10;
	v11 =	vsel vm0, $0x200, v11  }
0x55: {  	s7 =	rddreg [dreg:$0x1];
	v12 =	vsel vm0, $0x280, v12;
	v13 =	vsel vm0, $0x300, v13;
	v14 =	vsel vm0, $0x380, v14  }
0x56: {  	s3 =	rddreg [dreg:$0x2];
	s4 =	simm.s32 $0x0;
	v15 =	vsel vm0, $0x6800, v15;
	v16 =	vsel vm0, $0x6880, v16;
	v17 =	vsel vm0, $0x6900, v17  }
0x57: {  	s9 =	simm.s32 $0x4000;
	s10 =	simm.s32 $0x3;
	s11 =	simm.s32 $0x1;
	v18 =	vsel vm0, $0x6980, v18;
	v19 =	vsel vm0, $0x6A00, v19;
	v4 =	vsel vm1, $0x6B00, v4  }
.Ltmp0:
0x58: {  	s12 =	simm.s32 $0x10;
	s5 =	ssub.s32 $0x2, s5;
	v5 =	vsel vm1, $0x6B80, v5;
	v6 =	vsel vm1, $0x0, v6;
	v7 =	vsel vm1, $0x80, v7;
	(pc) =	sbr.rel .LBB2_1-.Ltmp0, $4  }
0x59: {  	s13 =	simm.s32 $0x2;
	[smem:$0x7FF] =	sst s4;
	s8 =	sshrl.u32 s5, $0x1;
	v8 =	vsel vm1, $0x100, v8;
	v9 =	vsel vm1, $0x180, v9;
	v10 =	vsel vm1, $0x200, v10  }
0x5a: {  	s14 =	simm.s32 $0x0;
	s8 =	ssub.s32 s5, s8;
	s1 =	rddreg [dreg:$0x0];
	v11 =	vsel vm1, $0x280, v11;
	v12 =	vsel vm1, $0x300, v12;
	v13 =	vsel vm1, $0x380, v13  }
0x5b: {  	s5 =	sadd.s32 s7, s6;
	s7 =	simm.s32 $0x6800;
	s2 =	rddreg [dreg:$0x3];
	v14 =	vsel vm1, $0x6800, v14;
	v15 =	vsel vm1, $0x6880, v15;
	v16 =	vsel vm1, $0x6900, v16  }
0x5c: {  	_ =	strace $0x80000047;
	s6 =	smax.u32 s8, $0x1;
	s8 =	simm.s32 $0xC3800;
	v17 =	vsel vm1, $0x6980, v17;
	v18 =	vsel vm1, $0x6A00, v18;
	v19 =	vsel vm1, $0x6A80, v19  }
.LBB2_13:
0x5d: {  	[sflag:s13] =	ssyncadd.s32 $0xFFFFFFF0  }
.LBB2_14:
0x5e: {  	s14 =	sadd.s32 $0x1, s14  }
0x5f: {  	p0 =	sne.s32 s14, s6  }
.Ltmp1:
0x60: {  	_ = 	snop;
	(pc) =	sbr.rel @!p0 .LBB2_15-.Ltmp1, $1  }
0x61: {  	_ =	sdelay $0x3  }
.LBB2_1:
0x62: {  	[tilespmem:s9], [sflag:$0x1] =	stream.strided.gather [hbm4b:s5+s7], $0xD000, s8, s7, $0x38;
	[tilespmem:$0x19C00] =	vst v63  }
0x63: {  	_ = 	snop  }
0x64: {  	[tilespmem:s4], [sflag:$0x3] =	stream.linear.gather [hbm4b:s1+s4], $0x4000, $0x38;
	[tilespmem:$0x19C00] =	vst v63  }
0x65: {  	_ =	swait.ge [sflag:s10], $0x4000  }
0x66: {  	[sflag:s10] =	ssyncset.done $0x0  }
0x67: {  	[sflag:s10] =	ssyncadd.s32 $0xFFFFC000  }
0x68: {  	v20 =	vld [tilespmem:s12+$0xFFFFFFF0];
	_ =	sdelay $0x4  }
0x69: {  	vm0 =	vge.s32 v20, v0;
	vm1 =	vlt.s32 v20, v1  }
0x6a: {  	vm0 =	vmand vm0, vm1  }
0x6b: {  	v21 =	vmpcnt.ones.xlane vm0;
	_ =	sdelay $0x1  }
0x6c: {  	s15 =	simm.s32 $0x0;
	(v2sf) =	vpush v21, $0x0  }
0x6d: {  	v21 =	vmov s15  }
0x6e: {  	v21 =	vshll.u32 v21, $0xC  }
0x6f: {  	p0 =	por $0x1, $0x1;
	v20 =	vsub.s32 v20, v2;
	s15 =	simm.s32 $0x0;
	v21 =	vor.u32 v3, v21  }
0x70: {  	s15 =	simm.s32 @!p0 $0x7F0;
	v20 =	vor.u32 v21, v20  }
0x71: {  	[tilespmem:s15+$0x11000] =	vst.msk vm0, v20  }
0x72: {  	v20 =	vld [tilespmem:s12+$0x0];
	_ =	sdelay $0x3  }
0x73: {  	v21 =	vmov s12  }
0x74: {  	v21 =	vshll.u32 v21, $0xC;
	vm14 =	vge.s32 v20, v0;
	vm15 =	vlt.s32 v20, v1  }
0x75: {  	v21 =	vor.u32 v3, v21;
	v20 =	vsub.s32 v20, v2;
	vm0 =	vmand vm14, vm15  }
0x76: {  	v20 =	vor.u32 v21, v20;
	v21 =	vmpcnt.ones.xlane vm0;
	_ =	sdelay $0x1  }
0x77: {  	s30 =	spop (v2sf);
	(v2sf) =	vpush v21, $0x0;
	_ =	sdelay $0x6  }
0x78: {  	s18 =	sadd.s32 $0x0, s30  }
0x79: {  	p0 =	slt.s32 s18, $0x7F0;
	s15 =	smov.u32 s18  }
0x7a: {  	s15 =	simm.s32 @!p0 $0x7F0  }
0x7b: {  	s16 =	simm.s32 $0x30;
	[tilespmem:s15+$0x11000] =	vst.msk vm0, v20  }
0x7c: {  	v20 =	vld [tilespmem:s16+$0xFFFFFFF0];
	_ =	sdelay $0x1  }
0x7d: {  	s31 =	simm.s32 $0x20  }
0x7e: {  	s17 =	simm.s32 $0x2;
	v21 =	vmov s31;
	s15 =	simm.s32 $0x30  }
.LBB2_2:
0x7f: {  	s17 =	sadd.s32 $0x2, s17;
	v21 =	vshll.u32 v21, $0xC;
	s19 =	spop (v2sf)  }
0x80: {  	p0 =	slt.u32 s17, $0x3FE;
	vm0 =	vge.s32 v20, v0;
	vm1 =	vlt.s32 v20, v1;
	v20 =	vsub.s32 v20, v2;
	s18 =	sadd.s32 s18, s19  }
0x81: {  	v21 =	vor.u32 v3, v21;
	vm0 =	vmand vm0, vm1;
	p1 =	slt.s32 s18, $0x7F0;
	s19 =	smov.u32 s18  }
0x82: {  	v20 =	vor.u32 v21, v20;
	s19 =	simm.s32 @!p1 $0x7F0;
	v21 =	vmpcnt.ones.xlane vm0  }
0x83: {  	[tilespmem:s19+$0x11000] =	vst.msk vm0, v20  }
0x84: {  	v20 =	vld [tilespmem:s16+$0x0];
	(v2sf) =	vpush v21, $0x0;
	_ =	sdelay $0x4  }
0x85: {  	vm0 =	vge.s32 v20, v0;
	vm1 =	vlt.s32 v20, v1;
	v20 =	vsub.s32 v20, v2  }
0x86: {  	vm0 =	vmand vm0, vm1  }
0x87: {  	v21 =	vmpcnt.ones.xlane vm0;
	_ =	sdelay $0x1  }
0x88: {  	(v2sf) =	vpush v21, $0x0;
	_ =	sdelay $0x5  }
0x89: {  	v21 =	vmov s15;
	s19 =	spop (v2sf)  }
0x8a: {  	v21 =	vshll.u32 v21, $0xC;
	s18 =	sadd.s32 s18, s19  }
0x8b: {  	v21 =	vor.u32 v3, v21;
	p1 =	slt.s32 s18, $0x7F0;
	s19 =	smov.u32 s18  }
0x8c: {  	v20 =	vor.u32 v21, v20;
	s19 =	simm.s32 @!p1 $0x7F0  }
.Ltmp2:
0x8d: {  	s16 =	sadd.s32 $0x20, s16;
	[tilespmem:s19+$0x11000] =	vst.msk vm0, v20;
	(pc) =	sbr.rel @p0 .LBB2_2-.Ltmp2, $4  }
0x8e: {  	v20 =	vld [tilespmem:s16+$0xFFFFFFF0]  }
0x8f: {  	s15 =	sadd.s32 $0x20, s15  }
0x90: {  	s19 =	sadd.s32 $0xFFFFFFF0, s15  }
0x91: {  	v21 =	vmov s19  }
0x92: {  	s17 =	spop (v2sf)  }
0x93: {  	v21 =	vshll.u32 v21, $0xC;
	vm0 =	vge.s32 v20, v0;
	s17 =	sadd.s32 s18, s17  }
0x94: {  	vm1 =	vlt.s32 v20, v1;
	v20 =	vsub.s32 v20, v2;
	v21 =	vor.u32 v3, v21;
	p0 =	slt.s32 s17, $0x7F0;
	s18 =	smov.u32 s17  }
0x95: {  	vm0 =	vmand vm0, vm1;
	v20 =	vor.u32 v21, v20;
	s18 =	simm.s32 @!p0 $0x7F0  }
0x96: {  	[tilespmem:s18+$0x11000] =	vst.msk vm0, v20  }
0x97: {  	v20 =	vld [tilespmem:s16+$0x0];
	_ =	sdelay $0x4  }
0x98: {  	vm14 =	vge.s32 v20, v0;
	vm2 =	vlt.s32 v20, v1  }
0x99: {  	v62 =	vmpcnt.ones.xlane vm0;
	vm15 =	vmand vm14, vm2  }
0x9a: {  	v22 =	vmpcnt.ones.xlane vm15  }
0x9b: {  	(v2sf) =	vpush v62, $0x0  }
0x9c: {  	(v2sf) =	vpush v22, $0x0;
	_ =	sdelay $0xd  }
0x9d: {  	s30 =	spop (v2sf)  }
0x9e: {  	s16 =	sadd.s32 s17, s30;
	s31 =	spop (v2sf)  }
0x9f: {  	s17 =	sadd.s32 s16, s31  }
0xa0: {  	v63 =	vmov s15;
	p1 =	slt.s32 s17, $0x7F0  }
0xa1: {  	v21 =	vshll.u32 v63, $0xC;
	p0 =	sgt.s32 s17, $0x0;
	s17 =	simm.s32 @!p1 $0x7F0  }
0xa2: {  	v21 =	vor.u32 v3, v21;
	v20 =	vsub.s32 v20, v2;
	p1 =	slt.s32 s16, $0x7F0;
	p2 =	sgt.s32 @p0 s17, $0x10  }
0xa3: {  	v20 =	vor.u32 v21, v20;
	s16 =	simm.s32 @!p1 $0x7F0;
	s15 =	smov.u32 s17;
	p1 =	por !p2, !p0  }
0xa4: {  	[tilespmem:s16+$0x11000] =	vst.msk vm15, v20;
	s15 =	simm.s32 @p1 $0x10  }
0xa5: {  	v20 =	vld @p0 [tilespmem:s15+$0x10FF0];
	_ =	sdelay $0x1  }
0xa6: {  	s16 =	sadd.s32 @p0 $0xF, s17  }
0xa7: {  	s15 =	ssub.s32 @p0 s16, s15  }
0xa8: {  	v21 =	vmov @p0 s15;
	s15 =	sadd.s32 @!p0 $0xF, s17  }
0xa9: {  	s15 =	smov.u32 @p0 s16;
	v20 =	vperm.xlane @p0 v20, v21  }
0xaa: {  	s15 =	sshra.s32 s15, $0x4  }
0xab: {  	[tilespmem:s17+$0x11000] =	vst @p0 v20;
	p0 =	slt.s32 s15, $0x1  }
.Ltmp3:
0xac: {  	_ = 	snop;
	(pc) =	sbr.rel @p0 .LBB2_14-.Ltmp3, $4  }
0xad: {  	_ = 	snop  }
0xae: {  	_ =	swait.ge [sflag:s11], $0xD000  }
0xaf: {  	s18 =	simm.s32 $0x11000;
	[sflag:s11] =	ssyncset.done $0x0  }
0xb0: {  	s16 =	simm.s32 $0x11800;
	s17 =	simm.s32 $0x15800;
	[sflag:s11] =	ssyncadd.s32 $0xFFFF3000  }
0xb1: {  	p1 =	sne.s32 s15, $0x1  }
.Ltmp4:
0xb2: {  	_ = 	snop;
	(pc) =	sbr.rel @!p1 .LBB2_5-.Ltmp4, $2  }
0xb3: {  	_ =	sdelay $0x2  }
0xb4: {  	v20 =	vld [tilespmem:s18+$0x0];
	s19 =	sadd.s32 $0xFFFFFFFF, s15;
	p0 =	por $0x0, $0x0  }
0xb5: {  	_ =	sdelay $0x3  }
0xb6: {  	v21 =	vshll.u32 v20, $0x3  }
0xb7: {  	v22 =	vand.u32 $0x7F, v20;
	v21 =	vand.u32 $0x7C00, v21  }
0xb8: {  	v21 =	vor.u32 v22, v21  }
0xb9: {  	v22 =	vadd.s32 v4, v21;
	_ =	sdelay $0x1  }
0xba: {  	v23 =	vadd.s32 v5, v21;
	_ =	sdelay $0x1  }
0xbb: {  	v24 =	vadd.s32 v6, v21  }
0xbc: {  	v22 =	vld.idx.msk [tilespmem:v22+s9+$0x0], $0xffff  }
0xbd: {  	v25 =	vadd.s32 v7, v21  }
0xbe: {  	v23 =	vld.idx.msk [tilespmem:v23+s9+$0x0], $0xffff  }
0xbf: {  	v26 =	vadd.s32 v8, v21  }
0xc0: {  	v24 =	vld.idx.msk [tilespmem:v24+s9+$0x0], $0xffff  }
0xc1: {  	v27 =	vadd.s32 v9, v21;
	v22 =	vadd.f32 $0.0e+00, v22  }
0xc2: {  	v25 =	vld.idx.msk [tilespmem:v25+s9+$0x0], $0xffff  }
0xc3: {  	v28 =	vadd.s32 v10, v21;
	v22 =	vadd.f32 v23, v22  }
0xc4: {  	v23 =	vld.idx.msk [tilespmem:v26+s9+$0x0], $0xffff  }
0xc5: {  	v49 =	vadd.s32 v11, v21;
	v22 =	vadd.f32 v24, v22  }
0xc6: {  	v50 =	vld.idx.msk [tilespmem:v27+s9+$0x0], $0xffff  }
0xc7: {  	v51 =	vadd.s32 v12, v21;
	v22 =	vadd.f32 v25, v22  }
0xc8: {  	v52 =	vld.idx.msk [tilespmem:v28+s9+$0x0], $0xffff  }
0xc9: {  	v53 =	vadd.s32 v13, v21;
	v22 =	vadd.f32 v23, v22  }
0xca: {  	v23 =	vld.idx.msk [tilespmem:v49+s9+$0x0], $0xffff  }
0xcb: {  	v54 =	vadd.s32 v14, v21;
	v22 =	vadd.f32 v50, v22  }
0xcc: {  	v55 =	vld.idx.msk [tilespmem:v51+s9+$0x0], $0xffff  }
0xcd: {  	v56 =	vadd.s32 v15, v21;
	v22 =	vadd.f32 v52, v22  }
0xce: {  	v57 =	vld.idx.msk [tilespmem:v53+s9+$0x0], $0xffff  }
0xcf: {  	v58 =	vadd.s32 v16, v21;
	v22 =	vadd.f32 v23, v22  }
0xd0: {  	v23 =	vld.idx.msk [tilespmem:v54+s9+$0x0], $0xffff  }
0xd1: {  	v59 =	vadd.s32 v17, v21;
	v22 =	vadd.f32 v55, v22  }
0xd2: {  	v60 =	vld.idx.msk [tilespmem:v56+s9+$0x0], $0xffff  }
0xd3: {  	v61 =	vadd.s32 v18, v21;
	v22 =	vadd.f32 v57, v22  }
0xd4: {  	v62 =	vld.idx.msk [tilespmem:v58+s9+$0x0], $0xffff  }
0xd5: {  	v21 =	vadd.s32 v19, v21;
	v22 =	vadd.f32 v23, v22  }
0xd6: {  	v23 =	vld.idx.msk [tilespmem:v59+s9+$0x0], $0xffff  }
0xd7: {  	v22 =	vadd.f32 v60, v22  }
0xd8: {  	v63 =	vld.idx.msk [tilespmem:v61+s9+$0x0], $0xffff  }
0xd9: {  	v22 =	vadd.f32 v62, v22  }
0xda: {  	v21 =	vld.idx.msk [tilespmem:v21+s9+$0x0], $0xffff  }
0xdb: {  	v22 =	vadd.f32 v23, v22;
	_ =	sdelay $0x1  }
0xdc: {  	v22 =	vadd.f32 v63, v22;
	_ =	sdelay $0x1  }
0xdd: {  	v21 =	vadd.f32 v21, v22;
	_ =	sdelay $0x1  }
0xde: {  	v21 =	vsub.f32 $0.0e+00, v21;
	_ =	sdelay $0x1  }
0xdf: {  	v21 =	vmul.f32 $1.442695020e+00, v21;
	_ =	sdelay $0x1  }
0xe0: {  	(erf) = vpow2.f32 v21;
	_ =	sdelay $0x8  }
0xe1: {  	v21 =	vpop (erf)  }
0xe2: {  	v21 =	vadd.f32 $1.000000000e+00, v21;
	_ =	sdelay $0x1  }
0xe3: {  	(erf) = vrcp.f32 v21;
	_ =	sdelay $0x7  }
0xe4: {  	p1 =	sne.s32 s19, $0x1  }
.Ltmp5:
0xe5: {  	v21 =	vpop (erf);
	(pc) =	sbr.rel @!p1 .LBB2_7-.Ltmp5, $4  }
0xe6: {  	v20 =	vshra.s32 v20, $0xC;
	[tilespmem:s16+$0x0] =	vst v21  }
0xe7: {  	s20 =	sadd.s32 $0x10, s18;
	[tilespmem:s17+$0x0] =	vst v20  }
0xe8: {  	s21 =	sadd.s32 $0xFFFFFFFF, s19;
	v20 =	vld [tilespmem:s20+$0x0]  }
0xe9: {  	p0 =	por $0x1, $0x1;
	s19 =	simm.s32 $0x11800;
	s18 =	simm.s32 $0x15800  }
.LBB2_8:
0xea: {  	p1 =	sne.s32 s21, $0x1;
	_ =	sdelay $0x2  }
0xeb: {  	v21 =	vshll.u32 v20, $0x3  }
0xec: {  	v22 =	vand.u32 $0x7F, v20;
	v21 =	vand.u32 $0x7C00, v21  }
0xed: {  	v21 =	vor.u32 v22, v21  }
0xee: {  	v22 =	vadd.s32 v4, v21;
	_ =	sdelay $0x1  }
0xef: {  	v23 =	vadd.s32 v5, v21;
	_ =	sdelay $0x1  }
0xf0: {  	v24 =	vadd.s32 v6, v21  }
0xf1: {  	v22 =	vld.idx.msk [tilespmem:v22+s9+$0x0], $0xffff  }
0xf2: {  	v25 =	vadd.s32 v7, v21  }
0xf3: {  	v23 =	vld.idx.msk [tilespmem:v23+s9+$0x0], $0xffff  }
0xf4: {  	v26 =	vadd.s32 v8, v21  }
0xf5: {  	v24 =	vld.idx.msk [tilespmem:v24+s9+$0x0], $0xffff  }
0xf6: {  	v27 =	vadd.s32 v9, v21  }
0xf7: {  	v22 =	vadd.f32 $0.0e+00, v22;
	v25 =	vld.idx.msk [tilespmem:v25+s9+$0x0], $0xffff  }
0xf8: {  	v28 =	vadd.s32 v10, v21  }
0xf9: {  	v22 =	vadd.f32 v23, v22;
	v23 =	vld.idx.msk [tilespmem:v26+s9+$0x0], $0xffff  }
0xfa: {  	v26 =	vadd.s32 v11, v21  }
0xfb: {  	v22 =	vadd.f32 v24, v22;
	v24 =	vld.idx.msk [tilespmem:v27+s9+$0x0], $0xffff  }
0xfc: {  	v27 =	vadd.s32 v12, v21  }
0xfd: {  	v22 =	vadd.f32 v25, v22;
	v25 =	vld.idx.msk [tilespmem:v28+s9+$0x0], $0xffff  }
0xfe: {  	v28 =	vadd.s32 v13, v21  }
0xff: {  	v22 =	vadd.f32 v23, v22;
	v23 =	vld.idx.msk [tilespmem:v26+s9+$0x0], $0xffff  }
0x100: {  	v26 =	vadd.s32 v14, v21  }
0x101: {  	v22 =	vadd.f32 v24, v22;
	v24 =	vld.idx.msk [tilespmem:v27+s9+$0x0], $0xffff  }
0x102: {  	v27 =	vadd.s32 v15, v21  }
0x103: {  	v22 =	vadd.f32 v25, v22;
	v25 =	vld.idx.msk [tilespmem:v28+s9+$0x0], $0xffff  }
0x104: {  	v28 =	vadd.s32 v16, v21  }
0x105: {  	v22 =	vadd.f32 v23, v22;
	v23 =	vld.idx.msk [tilespmem:v26+s9+$0x0], $0xffff  }
0x106: {  	v26 =	vadd.s32 v17, v21  }
0x107: {  	v22 =	vadd.f32 v24, v22;
	v24 =	vld.idx.msk [tilespmem:v27+s9+$0x0], $0xffff  }
0x108: {  	v27 =	vadd.s32 v18, v21  }
0x109: {  	v22 =	vadd.f32 v25, v22;
	v25 =	vld.idx.msk [tilespmem:v28+s9+$0x0], $0xffff  }
0x10a: {  	v21 =	vadd.s32 v19, v21  }
0x10b: {  	v22 =	vadd.f32 v23, v22;
	v23 =	vld.idx.msk [tilespmem:v26+s9+$0x0], $0xffff;
	_ =	sdelay $0x1  }
0x10c: {  	v22 =	vadd.f32 v24, v22;
	v24 =	vld.idx.msk [tilespmem:v27+s9+$0x0], $0xffff;
	_ =	sdelay $0x1  }
0x10d: {  	v22 =	vadd.f32 v25, v22;
	v21 =	vld.idx.msk [tilespmem:v21+s9+$0x0], $0xffff;
	_ =	sdelay $0x1  }
0x10e: {  	v22 =	vadd.f32 v23, v22;
	_ =	sdelay $0x1  }
0x10f: {  	v22 =	vadd.f32 v24, v22;
	_ =	sdelay $0x1  }
0x110: {  	v21 =	vadd.f32 v21, v22;
	_ =	sdelay $0x1  }
0x111: {  	v21 =	vsub.f32 $0.0e+00, v21;
	_ =	sdelay $0x1  }
0x112: {  	v21 =	vmul.f32 $1.442695020e+00, v21;
	_ =	sdelay $0x1  }
0x113: {  	(erf) = vpow2.f32 v21;
	_ =	sdelay $0x8  }
0x114: {  	v21 =	vpop (erf)  }
0x115: {  	v21 =	vadd.f32 $1.000000000e+00, v21;
	_ =	sdelay $0x1  }
0x116: {  	(erf) = vrcp.f32 v21;
	_ =	sdelay $0x8  }
.Ltmp6:
0x117: {  	s19 =	sadd.s32 $0x80, s19;
	v21 =	vpop (erf);
	(pc) =	sbr.rel @p1 .LBB2_8-.Ltmp6, $4  }
0x118: {  	s18 =	sadd.s32 $0x80, s18;
	v20 =	vshra.s32 v20, $0xC;
	[tilespmem:s19+$0x0] =	vst v21  }
0x119: {  	s20 =	sadd.s32 $0x10, s20;
	[tilespmem:s18+$0x0] =	vst v20  }
0x11a: {  	v20 =	vld [tilespmem:s20+$0x0]  }
0x11b: {  	s21 =	sadd.s32 $0xFFFFFFFF, s21  }
.LBB2_9:
0x11c: {  	_ =	sdelay $0x2  }
0x11d: {  	v21 =	vshll.u32 v20, $0x3  }
0x11e: {  	v22 =	vand.u32 $0x7F, v20;
	v21 =	vand.u32 $0x7C00, v21  }
0x11f: {  	v21 =	vor.u32 v22, v21  }
0x120: {  	v22 =	vadd.s32 v4, v21;
	_ =	sdelay $0x1  }
0x121: {  	v23 =	vadd.s32 v5, v21;
	_ =	sdelay $0x1  }
0x122: {  	v24 =	vadd.s32 v6, v21  }
0x123: {  	v22 =	vld.idx.msk [tilespmem:v22+s9+$0x0], $0xffff  }
0x124: {  	v25 =	vadd.s32 v7, v21  }
0x125: {  	v23 =	vld.idx.msk [tilespmem:v23+s9+$0x0], $0xffff  }
0x126: {  	v26 =	vadd.s32 v8, v21  }
0x127: {  	v24 =	vld.idx.msk [tilespmem:v24+s9+$0x0], $0xffff  }
0x128: {  	v27 =	vadd.s32 v9, v21;
	v22 =	vadd.f32 $0.0e+00, v22  }
0x129: {  	v25 =	vld.idx.msk [tilespmem:v25+s9+$0x0], $0xffff  }
0x12a: {  	v28 =	vadd.s32 v10, v21;
	v22 =	vadd.f32 v23, v22  }
0x12b: {  	v45 =	vld.idx.msk [tilespmem:v26+s9+$0x0], $0xffff  }
0x12c: {  	v46 =	vadd.s32 v11, v21;
	v22 =	vadd.f32 v24, v22  }
0x12d: {  	v47 =	vld.idx.msk [tilespmem:v27+s9+$0x0], $0xffff  }
0x12e: {  	v48 =	vadd.s32 v12, v21;
	v22 =	vadd.f32 v25, v22  }
0x12f: {  	v49 =	vld.idx.msk [tilespmem:v28+s9+$0x0], $0xffff  }
0x130: {  	v50 =	vadd.s32 v13, v21;
	v22 =	vadd.f32 v45, v22  }
0x131: {  	v51 =	vld.idx.msk [tilespmem:v46+s9+$0x0], $0xffff  }
0x132: {  	v52 =	vadd.s32 v14, v21;
	v22 =	vadd.f32 v47, v22  }
0x133: {  	v53 =	vld.idx.msk [tilespmem:v48+s9+$0x0], $0xffff  }
0x134: {  	v54 =	vadd.s32 v15, v21;
	v22 =	vadd.f32 v49, v22  }
0x135: {  	v55 =	vld.idx.msk [tilespmem:v50+s9+$0x0], $0xffff  }
0x136: {  	v56 =	vadd.s32 v16, v21;
	v22 =	vadd.f32 v51, v22  }
0x137: {  	v57 =	vld.idx.msk [tilespmem:v52+s9+$0x0], $0xffff  }
0x138: {  	v58 =	vadd.s32 v17, v21;
	v22 =	vadd.f32 v53, v22  }
0x139: {  	v59 =	vld.idx.msk [tilespmem:v54+s9+$0x0], $0xffff  }
0x13a: {  	v60 =	vadd.s32 v18, v21;
	v22 =	vadd.f32 v55, v22  }
0x13b: {  	v61 =	vld.idx.msk [tilespmem:v56+s9+$0x0], $0xffff  }
0x13c: {  	v21 =	vadd.s32 v19, v21;
	v22 =	vadd.f32 v57, v22  }
0x13d: {  	v62 =	vld.idx.msk [tilespmem:v58+s9+$0x0], $0xffff  }
0x13e: {  	v22 =	vadd.f32 v59, v22  }
0x13f: {  	v63 =	vld.idx.msk [tilespmem:v60+s9+$0x0], $0xffff  }
0x140: {  	v22 =	vadd.f32 v61, v22  }
0x141: {  	v21 =	vld.idx.msk [tilespmem:v21+s9+$0x0], $0xffff  }
0x142: {  	v22 =	vadd.f32 v62, v22;
	_ =	sdelay $0x1  }
0x143: {  	v22 =	vadd.f32 v63, v22;
	_ =	sdelay $0x1  }
0x144: {  	v21 =	vadd.f32 v21, v22;
	_ =	sdelay $0x1  }
0x145: {  	v21 =	vsub.f32 $0.0e+00, v21;
	_ =	sdelay $0x1  }
0x146: {  	v21 =	vmul.f32 $1.442695020e+00, v21;
	_ =	sdelay $0x1  }
0x147: {  	(erf) = vpow2.f32 v21;
	_ =	sdelay $0x8  }
0x148: {  	v21 =	vpop (erf)  }
0x149: {  	v21 =	vadd.f32 $1.000000000e+00, v21;
	_ =	sdelay $0x1  }
0x14a: {  	(erf) = vrcp.f32 v21;
	_ =	sdelay $0x4  }
0x14b: {  	s19 =	sadd.s32 @p0 $0x80, s19;
	s20 =	simm.s32 $0x11800  }
0x14c: {  	s18 =	sadd.s32 @p0 $0x80, s18;
	s20 =	smov.u32 @p0 s19;
	s19 =	simm.s32 $0x15800  }
0x14d: {  	s19 =	smov.u32 @p0 s18;
	p0 =	sne.s32 s15, $0x1  }
.Ltmp7:
0x14e: {  	_ = 	snop;
	(pc) =	sbr.rel @!p0 .LBB2_11-.Ltmp7, $4  }
0x14f: {  	v21 =	vpop (erf)  }
0x150: {  	v20 =	vshra.s32 v20, $0xC;
	[tilespmem:s20+$0x0] =	vst v21  }
0x151: {  	s18 =	sadd.s32 $0xFFFFFFFF, s15;
	[tilespmem:s19+$0x0] =	vst v20  }
0x152: {  	[spmem:s3] =	stream.indirect.scatter [tilespmem:s16], [sflag:$0x2], $0x1, s17, s12, $0xb8;
	[tilespmem:$0x19C00] =	vst v63  }
.LBB2_10:
0x153: {  	p1 =	sne.s32 s18, $0x1  }
.Ltmp8:
0x154: {  	_ = 	snop;
	(pc) =	sbr.rel @p1 .LBB2_10-.Ltmp8, $4  }
0x155: {  	_ = 	snop  }
0x156: {  	s16 =	sadd.s32 $0x80, s16;
	s17 =	sadd.s32 $0x80, s17  }
0x157: {  	s18 =	sadd.s32 $0xFFFFFFFF, s18  }
0x158: {  	[spmem:s3] =	stream.indirect.scatter [tilespmem:s16], [sflag:$0x2], $0x1, s17, s12, $0xb8;
	[tilespmem:$0x19C00] =	vst v63  }
.LBB2_11:
.Ltmp9:
0x159: {  	(pc) =	sbr.rel @!p0 .LBB2_13-.Ltmp9, $3  }
0x15a: {  	_ =	sdelay $0x1  }
0x15b: {  	_ =	swait.ge [sflag:s13], $0x10  }
0x15c: {  	s15 =	sadd.s32 $0xFFFFFFFF, s15;
	[sflag:s13] =	ssyncset.done $0x0  }
.LBB2_12:
0x15d: {  	p0 =	sne.s32 s15, $0x1;
	s15 =	sadd.s32 $0xFFFFFFFF, s15;
	[sflag:s13] =	ssyncadd.s32 $0xFFFFFFF0  }
.Ltmp10:
0x15e: {  	(pc) =	sbr.rel @p0 .LBB2_12-.Ltmp10, $3  }
0x15f: {  	_ =	sdelay $0x1  }
0x160: {  	_ =	swait.ge [sflag:s13], $0x10  }
0x161: {  	[sflag:s13] =	ssyncset.done $0x0  }
.Ltmp11:
0x162: {  	_ = 	snop;
	(pc) =	sbr.rel .LBB2_13-.Ltmp11, $1  }
0x163: {  	_ =	sdelay $0x3  }
.LBB2_5:
.Ltmp12:
0x164: {  	(pc) =	sbr.rel .LBB2_9-.Ltmp12, $2  }
0x165: {  	_ =	sdelay $0x2  }
0x166: {  	s19 =	simm.s32 $0x11800;
	s18 =	simm.s32 $0x15800  }
.LBB2_7:
.Ltmp13:
0x167: {  	(pc) =	sbr.rel .LBB2_9-.Ltmp13, $2  }
0x168: {  	_ =	sdelay $0x2  }
0x169: {  	s19 =	simm.s32 $0x11800;
	s18 =	simm.s32 $0x15800  }
.LBB2_15:
0x16a: {  	_ =	sfence.sel $0x180000  }
0x16b: {  	[bflag:$0x0] =	sbarrier.arrive $0xFFFF  }
0x16c: {  	p0 =	sne.s32 s0, $0x0;
	_ =	strace $0x90000047  }
0x16d: {  	s0 =	sadd.s32 @!p0 $0x100000, s2;
	[bflag:$0x2] =	sbarrier.arrive $0xFFFF  }
0x16e: {  	[sflag:s0] =	ssyncadd.tile.s32 @!p0 $0x1;
	_ =	shalt  }
.Lfunc_end2:
_tile_overlayer_lowered:
.L_overlay_start_2:
0x16f: {  	(tag) =	ssettag $0x2  }
0x170: {  	s0 =	rddreg [dreg:$0x0];
	s2 =	stileid.u32  }
0x171: {  	s1 =	rddreg [dreg:$0x1];
	p0 =	sne.s32 s2, $0x0  }
0x172: {  	s3 =	rddreg [dreg:$0x2];
	[bflag:$0x3] =	sbarrier.arrive $0xFFFF;
	s2 =	simm.s32 @!p0 $0x1C03  }
0x173: {  	[timem:s3], [sflag:s2] =	dma.local @!p0 [hbm:s0], s1  }
0x174: {  	s0 =	simm.s32 @!p0 $0x3  }
0x175: {  	_ =	swait.ge @!p0 [sflag:s0], s1  }
0x176: {  	s1 =	ssub.s32 @!p0 $0x0, s1;
	[sflag:s0] =	ssyncset.done @!p0 $0x0  }
0x177: {  	[sflag:s0] =	ssyncadd.s32 @!p0 s1  }
0x178: {  	[bflag:$0x3] =	sbarrier.arrive $0xFFFF  }
0x179: {  	_ =	shalt  }

</sc_bundles>
